<compile_context>
chip_gen: v7x
topology: tpu7x:2x2x1
jax: 0.10.2.dev20260603
libtpu: 0.0.44.dev20260713+nightly
codegen_flags: <defaults>
</compile_context>

<pallas_src>
import functools

import numpy as np

import jax
import jax.numpy as jnp
from jax import lax
from jax.experimental import pallas as pl
from jax.experimental.pallas import tpu as pltpu
from jax.experimental.pallas import tpu_sc as plsc

N_DRAWS = 8
B = 4096
K = 16
D = 64
SMALL_CONSTANT = 1e-12

KC0, KC1 = 1832780943, 270669613
KN0, KN1 = 64467757, 2916123636

_U32 = jnp.uint32
_TINY = np.float32(np.finfo(np.float32).tiny)
_LO = np.float32(np.nextafter(np.float32(-1.0), np.float32(0.0)))
_SQRT2 = np.float32(np.sqrt(2.0))

NROWS = N_DRAWS * B
NW = 32
RPW = NROWS // NW
CH = 128
NCH = RPW // CH

BBC = 256


def _threefry2x32(k0, k1, x1):
    mask = 0xFFFFFFFF
    ks = (k0, k1, (k0 ^ k1 ^ 0x1BD11BDA) & mask)
    rot = ((13, 15, 26, 6), (17, 29, 16, 24))

    def rotl(v, r):
        return (v << _U32(r)) | (v >> _U32(32 - r))

    x0 = jnp.full_like(x1, _U32(ks[0]))
    x1 = x1 + _U32(ks[1])
    for i in range(5):
        for r in rot[i % 2]:
            x0 = x0 + x1
            x1 = rotl(x1, r)
            x1 = x1 ^ x0
        x0 = x0 + _U32(ks[(i + 1) % 3])
        x1 = x1 + _U32((ks[(i + 2) % 3] + i + 1) & mask)
    return x0, x1


def _bits_to_unit(bits):
    fb = (bits >> _U32(9)) | _U32(0x3F800000)
    return lax.bitcast_convert_type(fb, jnp.float32) - np.float32(1.0)


def _erfinv(x):
    w = -jnp.log1p(-x * x)
    wl = w - np.float32(2.5)
    p = jnp.full_like(x, np.float32(0.000183766955591794))
    for c in (-0.0012763989002531062, -0.0040897603025591145,
              0.24667846384723832, 1.501379058703175):
        p = np.float32(c) + p * wl
    wh = jnp.sqrt(w) - np.float32(3.0)
    q = jnp.full_like(x, np.float32(-0.015554875345865344))
    for c in (0.010656940111282376, 1.0035587957430931, 2.8331310298009926):
        q = np.float32(c) + q * wh
    return jnp.where(w < np.float32(5.0), p, q) * x



BBA = 512


def _comp_body(logits_t_ref, mean_ref, lv_ref, idx_ref, cat_ref):
    ib = pl.program_id(0)
    b0 = (ib * BBA).astype(_U32)
    n_i = lax.broadcasted_iota(_U32, (N_DRAWS, K, BBA), 0)
    k_i = lax.broadcasted_iota(_U32, (N_DRAWS, K, BBA), 1)
    b_i = lax.broadcasted_iota(_U32, (N_DRAWS, K, BBA), 2)
    gi = n_i * _U32(B * K) + (b_i + b0) * _U32(K) + k_i
    x0, x1 = _threefry2x32(KC0, KC1, gi)
    f = _bits_to_unit(x0 ^ x1)
    u = jnp.maximum(_TINY, f * (np.float32(1.0) - _TINY) + _TINY)
    g = -jnp.log(-jnp.log(u))
    scores = g + logits_t_ref[...][None]
    mx = jnp.max(scores, axis=1, keepdims=True)
    k_f = k_i.astype(jnp.float32)
    kidx = jnp.min(jnp.where(scores == mx, k_f, np.float32(K)), axis=1)
    b_row = lax.broadcasted_iota(jnp.int32, (N_DRAWS, BBA), 1)
    idx_ref[...] = (b_row + ib * BBA) * K + kidx.astype(jnp.int32)
    cat_ref[...] = jnp.concatenate([mean_ref[...], lv_ref[...]], axis=-1)


def _comp_call():
    return pl.pallas_call(
        _comp_body,
        grid=(B // BBA,),
        in_specs=[
            pl.BlockSpec((K, BBA), lambda i: (0, i)),
            pl.BlockSpec((BBA * K, D), lambda i: (i, 0)),
            pl.BlockSpec((BBA * K, D), lambda i: (i, 0)),
        ],
        out_specs=[
            pl.BlockSpec((N_DRAWS, BBA), lambda i: (0, i)),
            pl.BlockSpec((BBA * K, 2 * D), lambda i: (i, 0)),
        ],
        out_shape=[
            jax.ShapeDtypeStruct((N_DRAWS, B), jnp.int32),
            jax.ShapeDtypeStruct((B * K, 2 * D), jnp.float32),
        ],
    )



def _sc_gather_call():
    mesh = plsc.VectorSubcoreMesh(core_axis_name="c", subcore_axis_name="s")

    @functools.partial(
        pl.kernel, mesh=mesh,
        out_type=jax.ShapeDtypeStruct((NROWS, 2 * D), jnp.float32),
        scratch_types=[
            pltpu.VMEM((NCH, CH), jnp.int32),
            pltpu.VMEM((CH, 2 * D), jnp.float32),
            pltpu.VMEM((CH, 2 * D), jnp.float32),
            pltpu.SemaphoreType.DMA,
            pltpu.SemaphoreType.DMA,
        ],
    )
    def k(cat_hbm, idx_hbm, sel_hbm, idx_v, rows_a, rows_b, sem_a, sem_b):
        wid = lax.axis_index("s") * 2 + lax.axis_index("c")
        pltpu.sync_copy(idx_hbm.at[pl.ds(wid * NCH, NCH)], idx_v)
        rows = (rows_a, rows_b)
        sems = (sem_a, sem_b)
        copies = [None, None]
        copies[0] = pltpu.async_copy(cat_hbm.at[idx_v.at[0]], rows[0], sems[0])
        for j in range(NCH):
            if j + 1 < NCH:
                copies[(j + 1) % 2] = pltpu.async_copy(
                    cat_hbm.at[idx_v.at[j + 1]], rows[(j + 1) % 2],
                    sems[(j + 1) % 2])
            copies[j % 2].wait()
            base = wid * RPW + j * CH
            pltpu.sync_copy(rows[j % 2], sel_hbm.at[pl.ds(base, CH)])

    return k



def _eps_body(eps_ref):
    ib = pl.program_id(0)
    e0 = (ib * (BBC * 2 * D)).astype(_U32)
    n_i = lax.broadcasted_iota(_U32, (N_DRAWS, BBC, 2 * D), 0)
    r_i = lax.broadcasted_iota(_U32, (N_DRAWS, BBC, 2 * D), 1)
    c_i = lax.broadcasted_iota(_U32, (N_DRAWS, BBC, 2 * D), 2)
    ei = n_i * _U32(B * D) + r_i * _U32(2 * D) + c_i + e0
    y0, y1 = _threefry2x32(KN0, KN1, ei)
    fe = _bits_to_unit(y0 ^ y1)
    ue = jnp.maximum(_LO, fe * (np.float32(1.0) - _LO) + _LO)
    eps_ref[...] = _SQRT2 * _erfinv(ue)


def _eps_call():
    nblk = (B // 2) // BBC
    return pl.pallas_call(
        _eps_body,
        grid=(nblk,),
        out_specs=pl.BlockSpec((N_DRAWS, BBC, 2 * D), lambda i: (0, i, 0)),
        out_shape=jax.ShapeDtypeStruct((N_DRAWS, B // 2, 2 * D), jnp.float32),
    )


def _final_body(sel_ref, eps_ref, out_ref):
    g = sel_ref[...]
    sel_m = jnp.concatenate([g[:, :, 0:D], g[:, :, 2 * D : 3 * D]], axis=-1)
    sel_v = jnp.concatenate([g[:, :, D : 2 * D], g[:, :, 3 * D :]], axis=-1)
    scale = jnp.sqrt(np.float32(SMALL_CONSTANT) + jnp.exp(sel_v))
    out_ref[...] = sel_m + scale * eps_ref[...]


def _final_call():
    nblk = (B // 2) // BBC
    return pl.pallas_call(
        _final_body,
        grid=(nblk,),
        in_specs=[
            pl.BlockSpec((N_DRAWS, BBC, 4 * D), lambda i: (0, i, 0)),
            pl.BlockSpec((N_DRAWS, BBC, 2 * D), lambda i: (0, i, 0)),
        ],
        out_specs=pl.BlockSpec((N_DRAWS, BBC, 2 * D), lambda i: (0, i, 0)),
        out_shape=jax.ShapeDtypeStruct((N_DRAWS, B // 2, 2 * D), jnp.float32),
    )


def kernel(mean, log_var, logits):
    idx, cat = _comp_call()(
        logits.T, mean.reshape(B * K, D), log_var.reshape(B * K, D))
    sel = _sc_gather_call()(cat, idx.reshape(NROWS // CH, CH))
    eps = _eps_call()()
    out = _final_call()(sel.reshape(N_DRAWS, B // 2, 4 * D), eps)
    return out.reshape(N_DRAWS, B, D)

# --- scband reference (transcript-rebuilt; emitter-appended) ---
"""Pipeline reference for scband-gaussian-mixture-2877628088981 (READ-ONLY COPY).

The authoritative reference and input builder live on the scoring server;
editing this copy changes nothing except your own understanding.
"""

import jax, jax.numpy as jnp
import numpy as np

N_DRAWS = 8
SMALL_CONSTANT = 1e-12


def setup_inputs(seed: int = 0) -> dict:
    key = jax.random.key(seed)
    k1, k2, k3 = jax.random.split(key, 3)
    mean = jax.random.normal(k1, (4096, 16, 64), dtype=jnp.float32)
    log_var = jax.random.normal(k2, (4096, 16, 64), dtype=jnp.float32)
    logits = jax.random.normal(k3, (4096, 16), dtype=jnp.float32)
    return {"mean": mean, "log_var": log_var, "logits": logits}


def reference(mean, log_var, logits):
    # Faithful translation of tfd.MixtureSameFamily(Categorical(logits),
    # MultivariateNormalDiag(mean, sqrt(SMALL_CONSTANT + exp(log_var)))).sample(N_DRAWS)
    skey = jax.random.key(42)
    kc, kn = jax.random.split(skey)
    B, K, D = mean.shape
    # ancestral sampling: draw mixture component per (draw, batch)
    comp = jax.random.categorical(kc, logits, axis=-1, shape=(N_DRAWS, B))  # int32 [N_DRAWS, B]
    scale = jnp.sqrt(SMALL_CONSTANT + jnp.exp(log_var))  # [B, K, D]
    idx = comp[:, :, None, None]  # [N_DRAWS, B, 1, 1]
    mean_b = jnp.broadcast_to(mean[None], (N_DRAWS, B, K, D))
    scale_b = jnp.broadcast_to(scale[None], (N_DRAWS, B, K, D))
    sel_mean = jnp.take_along_axis(mean_b, idx, axis=2)[:, :, 0, :]   # [N_DRAWS, B, D]
    sel_scale = jnp.take_along_axis(scale_b, idx, axis=2)[:, :, 0, :]  # [N_DRAWS, B, D]
    eps = jax.random.normal(kn, (N_DRAWS, B, D), dtype=mean.dtype)
    return sel_mean + sel_scale * eps

if __name__ == "__main__":
    import jax
    _d = setup_inputs()
    print(jax.jit(kernel)(*tuple(_d.values())))

</pallas_src>

<mosaic_0001>
#map = affine_map<(d0, d1) -> (0, 0)>
module attributes {stable_mosaic.version = 14 : i64} {
  func.func @k(%arg0: i32, %arg1: i32, %arg2: memref<65536x128xf32, #tpu.memory_space<hbm>>, %arg3: memref<256x128xi32, #tpu.memory_space<hbm>>, %arg4: memref<32768x128xf32, #tpu.memory_space<hbm>>, %arg5: memref<8x128xi32, #tpu.memory_space<vmem>>, %arg6: memref<128x128xf32, #tpu.memory_space<vmem>>, %arg7: memref<128x128xf32, #tpu.memory_space<vmem>>, %arg8: memref<!tpu.dma_semaphore, #tpu.memory_space<semaphore_mem>>, %arg9: memref<!tpu.dma_semaphore, #tpu.memory_space<semaphore_mem>>) attributes {dimension_semantics = [#tpu.dimension_semantics<core_parallel>, #tpu.dimension_semantics<subcore_parallel>], iteration_bounds = array<i64: 2, 16>, scalar_prefetch = 0 : i64, scratch_operands = 5 : i64, tpu.core_type = #tpu.core_type<sc_vector_subcore>, window_params = [{transform_indices = #map}, {transform_indices = #map}, {transform_indices = #map}]} {
    %mul3A = arith.constant 2 : i32
    %mul3A_0 = arith.muli %arg1, %mul3A : i32
    %add3A = arith.addi %mul3A_0, %arg0 : i32
    %mul3A_1 = arith.constant 8 : i32
    %mul3A_2 = arith.muli %add3A, %mul3A_1 : i32
    "tpu.region"() ({
      %run_scoped3A = tpu.sem_alloc : memref<!tpu.dma_semaphore, #tpu.memory_space<semaphore_mem>>
      %dma_start3A_145 = arith.constant 0 : i32
      %dma_start3A_146 = tpu.memref_slice %arg3[%mul3A_2, %dma_start3A_145] : memref<256x128xi32, #tpu.memory_space<hbm>> -> memref<8x128xi32, #tpu.memory_space<hbm>>
      %dma_start3A_147 = arith.constant 0 : i32
      %dma_start3A_148 = tpu.memref_slice %arg3[%mul3A_2, %dma_start3A_147] : memref<256x128xi32, #tpu.memory_space<hbm>> -> memref<8x128xi32, #tpu.memory_space<hbm>>
      tpu.enqueue_dma source(%dma_start3A_148 : memref<8x128xi32, #tpu.memory_space<hbm>>) target(%arg5 : memref<8x128xi32, #tpu.memory_space<vmem>>) target_semaphore(%run_scoped3A : memref<!tpu.dma_semaphore, #tpu.memory_space<semaphore_mem>>)
      %dma_wait3A_149 = arith.constant 0 : i32
      %dma_wait3A_150 = tpu.memref_slice %arg3[%mul3A_2, %dma_wait3A_149] : memref<256x128xi32, #tpu.memory_space<hbm>> -> memref<8x128xi32, #tpu.memory_space<hbm>>
      %dma_wait3A_151 = arith.constant 0 : i32
      %dma_wait3A_152 = tpu.memref_slice %arg3[%mul3A_2, %dma_wait3A_151] : memref<256x128xi32, #tpu.memory_space<hbm>> -> memref<8x128xi32, #tpu.memory_space<hbm>>
      tpu.wait_dma2 semaphore(%run_scoped3A : memref<!tpu.dma_semaphore, #tpu.memory_space<semaphore_mem>>) src(%dma_wait3A_152 : memref<8x128xi32, #tpu.memory_space<hbm>>) dst(%arg5 : memref<8x128xi32, #tpu.memory_space<vmem>>)
      tpu.yield
    }) : () -> ()
    %dma_start3A = arith.constant 0 : i32
    %dma_start3A_3 = arith.constant 0 : i32
    %dma_start3A_4 = tpu.memref_slice %arg5[%dma_start3A, %dma_start3A_3] : memref<8x128xi32, #tpu.memory_space<vmem>> -> memref<1x128xi32, #tpu.memory_space<vmem>>
    %dma_start3A_5 = tpu.memref_squeeze %dma_start3A_4 : memref<1x128xi32, #tpu.memory_space<vmem>> -> memref<128xi32, #tpu.memory_space<vmem>>
    %dma_start3A_6 = arith.constant 0 : i32
    %dma_start3A_7 = arith.constant 0 : i32
    %dma_start3A_8 = tpu.memref_slice %arg2[%dma_start3A_6, %dma_start3A_7] : memref<65536x128xf32, #tpu.memory_space<hbm>> -> memref<65536x128xf32, #tpu.memory_space<hbm>>
    tpu.enqueue_indirect_dma source(%dma_start3A_8 : memref<65536x128xf32, #tpu.memory_space<hbm>>) target(%arg6 : memref<128x128xf32, #tpu.memory_space<vmem>>) offsets(%dma_start3A_5 : memref<128xi32, #tpu.memory_space<vmem>>) semaphore(%arg8 : memref<!tpu.dma_semaphore, #tpu.memory_space<semaphore_mem>>)
    %dma_start3A_9 = arith.constant 1 : i32
    %dma_start3A_10 = arith.constant 0 : i32
    %dma_start3A_11 = tpu.memref_slice %arg5[%dma_start3A_9, %dma_start3A_10] : memref<8x128xi32, #tpu.memory_space<vmem>> -> memref<1x128xi32, #tpu.memory_space<vmem>>
    %dma_start3A_12 = tpu.memref_squeeze %dma_start3A_11 : memref<1x128xi32, #tpu.memory_space<vmem>> -> memref<128xi32, #tpu.memory_space<vmem>>
    %dma_start3A_13 = arith.constant 0 : i32
    %dma_start3A_14 = arith.constant 0 : i32
    %dma_start3A_15 = tpu.memref_slice %arg2[%dma_start3A_13, %dma_start3A_14] : memref<65536x128xf32, #tpu.memory_space<hbm>> -> memref<65536x128xf32, #tpu.memory_space<hbm>>
    tpu.enqueue_indirect_dma source(%dma_start3A_15 : memref<65536x128xf32, #tpu.memory_space<hbm>>) target(%arg7 : memref<128x128xf32, #tpu.memory_space<vmem>>) offsets(%dma_start3A_12 : memref<128xi32, #tpu.memory_space<vmem>>) semaphore(%arg9 : memref<!tpu.dma_semaphore, #tpu.memory_space<semaphore_mem>>)
    %dma_wait3A = arith.constant 0 : i32
    %dma_wait3A_16 = arith.constant 0 : i32
    %dma_wait3A_17 = tpu.memref_slice %arg5[%dma_wait3A, %dma_wait3A_16] : memref<8x128xi32, #tpu.memory_space<vmem>> -> memref<1x128xi32, #tpu.memory_space<vmem>>
    %dma_wait3A_18 = tpu.memref_squeeze %dma_wait3A_17 : memref<1x128xi32, #tpu.memory_space<vmem>> -> memref<128xi32, #tpu.memory_space<vmem>>
    %dma_wait3A_19 = arith.constant 0 : i32
    %dma_wait3A_20 = arith.constant 0 : i32
    %dma_wait3A_21 = tpu.memref_slice %arg2[%dma_wait3A_19, %dma_wait3A_20] : memref<65536x128xf32, #tpu.memory_space<hbm>> -> memref<65536x128xf32, #tpu.memory_space<hbm>>
    tpu.wait_indirect_dma semaphore(%arg8 : memref<!tpu.dma_semaphore, #tpu.memory_space<semaphore_mem>>) src(%dma_wait3A_21 : memref<65536x128xf32, #tpu.memory_space<hbm>>) dst(%arg6 : memref<128x128xf32, #tpu.memory_space<vmem>>)
    %mul3A_22 = arith.constant 1024 : i32
    %mul3A_23 = arith.muli %add3A, %mul3A_22 : i32
    %add3A_24 = arith.constant 0 : i32
    %add3A_25 = arith.addi %mul3A_23, %add3A_24 : i32
    "tpu.region"() ({
      %run_scoped3A = tpu.sem_alloc : memref<!tpu.dma_semaphore, #tpu.memory_space<semaphore_mem>>
      %dma_start3A_145 = arith.constant 0 : i32
      %dma_start3A_146 = tpu.memref_slice %arg4[%add3A_25, %dma_start3A_145] : memref<32768x128xf32, #tpu.memory_space<hbm>> -> memref<128x128xf32, #tpu.memory_space<hbm>>
      %dma_start3A_147 = arith.constant 0 : i32
      %dma_start3A_148 = tpu.memref_slice %arg4[%add3A_25, %dma_start3A_147] : memref<32768x128xf32, #tpu.memory_space<hbm>> -> memref<128x128xf32, #tpu.memory_space<hbm>>
      tpu.enqueue_dma source(%arg6 : memref<128x128xf32, #tpu.memory_space<vmem>>) target(%dma_start3A_148 : memref<128x128xf32, #tpu.memory_space<hbm>>) target_semaphore(%run_scoped3A : memref<!tpu.dma_semaphore, #tpu.memory_space<semaphore_mem>>)
      %dma_wait3A_149 = arith.constant 0 : i32
      %dma_wait3A_150 = tpu.memref_slice %arg4[%add3A_25, %dma_wait3A_149] : memref<32768x128xf32, #tpu.memory_space<hbm>> -> memref<128x128xf32, #tpu.memory_space<hbm>>
      %dma_wait3A_151 = arith.constant 0 : i32
      %dma_wait3A_152 = tpu.memref_slice %arg4[%add3A_25, %dma_wait3A_151] : memref<32768x128xf32, #tpu.memory_space<hbm>> -> memref<128x128xf32, #tpu.memory_space<hbm>>
      tpu.wait_dma2 semaphore(%run_scoped3A : memref<!tpu.dma_semaphore, #tpu.memory_space<semaphore_mem>>) src(%arg6 : memref<128x128xf32, #tpu.memory_space<vmem>>) dst(%dma_wait3A_152 : memref<128x128xf32, #tpu.memory_space<hbm>>)
      tpu.yield
    }) : () -> ()
    %dma_start3A_26 = arith.constant 2 : i32
    %dma_start3A_27 = arith.constant 0 : i32
    %dma_start3A_28 = tpu.memref_slice %arg5[%dma_start3A_26, %dma_start3A_27] : memref<8x128xi32, #tpu.memory_space<vmem>> -> memref<1x128xi32, #tpu.memory_space<vmem>>
    %dma_start3A_29 = tpu.memref_squeeze %dma_start3A_28 : memref<1x128xi32, #tpu.memory_space<vmem>> -> memref<128xi32, #tpu.memory_space<vmem>>
    %dma_start3A_30 = arith.constant 0 : i32
    %dma_start3A_31 = arith.constant 0 : i32
    %dma_start3A_32 = tpu.memref_slice %arg2[%dma_start3A_30, %dma_start3A_31] : memref<65536x128xf32, #tpu.memory_space<hbm>> -> memref<65536x128xf32, #tpu.memory_space<hbm>>
    tpu.enqueue_indirect_dma source(%dma_start3A_32 : memref<65536x128xf32, #tpu.memory_space<hbm>>) target(%arg6 : memref<128x128xf32, #tpu.memory_space<vmem>>) offsets(%dma_start3A_29 : memref<128xi32, #tpu.memory_space<vmem>>) semaphore(%arg8 : memref<!tpu.dma_semaphore, #tpu.memory_space<semaphore_mem>>)
    %dma_wait3A_33 = arith.constant 1 : i32
    %dma_wait3A_34 = arith.constant 0 : i32
    %dma_wait3A_35 = tpu.memref_slice %arg5[%dma_wait3A_33, %dma_wait3A_34] : memref<8x128xi32, #tpu.memory_space<vmem>> -> memref<1x128xi32, #tpu.memory_space<vmem>>
    %dma_wait3A_36 = tpu.memref_squeeze %dma_wait3A_35 : memref<1x128xi32, #tpu.memory_space<vmem>> -> memref<128xi32, #tpu.memory_space<vmem>>
    %dma_wait3A_37 = arith.constant 0 : i32
    %dma_wait3A_38 = arith.constant 0 : i32
    %dma_wait3A_39 = tpu.memref_slice %arg2[%dma_wait3A_37, %dma_wait3A_38] : memref<65536x128xf32, #tpu.memory_space<hbm>> -> memref<65536x128xf32, #tpu.memory_space<hbm>>
    tpu.wait_indirect_dma semaphore(%arg9 : memref<!tpu.dma_semaphore, #tpu.memory_space<semaphore_mem>>) src(%dma_wait3A_39 : memref<65536x128xf32, #tpu.memory_space<hbm>>) dst(%arg7 : memref<128x128xf32, #tpu.memory_space<vmem>>)
    %mul3A_40 = arith.constant 1024 : i32
    %mul3A_41 = arith.muli %add3A, %mul3A_40 : i32
    %add3A_42 = arith.constant 128 : i32
    %add3A_43 = arith.addi %mul3A_41, %add3A_42 : i32
    "tpu.region"() ({
      %run_scoped3A = tpu.sem_alloc : memref<!tpu.dma_semaphore, #tpu.memory_space<semaphore_mem>>
      %dma_start3A_145 = arith.constant 0 : i32
      %dma_start3A_146 = tpu.memref_slice %arg4[%add3A_43, %dma_start3A_145] : memref<32768x128xf32, #tpu.memory_space<hbm>> -> memref<128x128xf32, #tpu.memory_space<hbm>>
      %dma_start3A_147 = arith.constant 0 : i32
      %dma_start3A_148 = tpu.memref_slice %arg4[%add3A_43, %dma_start3A_147] : memref<32768x128xf32, #tpu.memory_space<hbm>> -> memref<128x128xf32, #tpu.memory_space<hbm>>
      tpu.enqueue_dma source(%arg7 : memref<128x128xf32, #tpu.memory_space<vmem>>) target(%dma_start3A_148 : memref<128x128xf32, #tpu.memory_space<hbm>>) target_semaphore(%run_scoped3A : memref<!tpu.dma_semaphore, #tpu.memory_space<semaphore_mem>>)
      %dma_wait3A_149 = arith.constant 0 : i32
      %dma_wait3A_150 = tpu.memref_slice %arg4[%add3A_43, %dma_wait3A_149] : memref<32768x128xf32, #tpu.memory_space<hbm>> -> memref<128x128xf32, #tpu.memory_space<hbm>>
      %dma_wait3A_151 = arith.constant 0 : i32
      %dma_wait3A_152 = tpu.memref_slice %arg4[%add3A_43, %dma_wait3A_151] : memref<32768x128xf32, #tpu.memory_space<hbm>> -> memref<128x128xf32, #tpu.memory_space<hbm>>
      tpu.wait_dma2 semaphore(%run_scoped3A : memref<!tpu.dma_semaphore, #tpu.memory_space<semaphore_mem>>) src(%arg7 : memref<128x128xf32, #tpu.memory_space<vmem>>) dst(%dma_wait3A_152 : memref<128x128xf32, #tpu.memory_space<hbm>>)
      tpu.yield
    }) : () -> ()
    %dma_start3A_44 = arith.constant 3 : i32
    %dma_start3A_45 = arith.constant 0 : i32
    %dma_start3A_46 = tpu.memref_slice %arg5[%dma_start3A_44, %dma_start3A_45] : memref<8x128xi32, #tpu.memory_space<vmem>> -> memref<1x128xi32, #tpu.memory_space<vmem>>
    %dma_start3A_47 = tpu.memref_squeeze %dma_start3A_46 : memref<1x128xi32, #tpu.memory_space<vmem>> -> memref<128xi32, #tpu.memory_space<vmem>>
    %dma_start3A_48 = arith.constant 0 : i32
    %dma_start3A_49 = arith.constant 0 : i32
    %dma_start3A_50 = tpu.memref_slice %arg2[%dma_start3A_48, %dma_start3A_49] : memref<65536x128xf32, #tpu.memory_space<hbm>> -> memref<65536x128xf32, #tpu.memory_space<hbm>>
    tpu.enqueue_indirect_dma source(%dma_start3A_50 : memref<65536x128xf32, #tpu.memory_space<hbm>>) target(%arg7 : memref<128x128xf32, #tpu.memory_space<vmem>>) offsets(%dma_start3A_47 : memref<128xi32, #tpu.memory_space<vmem>>) semaphore(%arg9 : memref<!tpu.dma_semaphore, #tpu.memory_space<semaphore_mem>>)
    %dma_wait3A_51 = arith.constant 2 : i32
    %dma_wait3A_52 = arith.constant 0 : i32
    %dma_wait3A_53 = tpu.memref_slice %arg5[%dma_wait3A_51, %dma_wait3A_52] : memref<8x128xi32, #tpu.memory_space<vmem>> -> memref<1x128xi32, #tpu.memory_space<vmem>>
    %dma_wait3A_54 = tpu.memref_squeeze %dma_wait3A_53 : memref<1x128xi32, #tpu.memory_space<vmem>> -> memref<128xi32, #tpu.memory_space<vmem>>
    %dma_wait3A_55 = arith.constant 0 : i32
    %dma_wait3A_56 = arith.constant 0 : i32
    %dma_wait3A_57 = tpu.memref_slice %arg2[%dma_wait3A_55, %dma_wait3A_56] : memref<65536x128xf32, #tpu.memory_space<hbm>> -> memref<65536x128xf32, #tpu.memory_space<hbm>>
    tpu.wait_indirect_dma semaphore(%arg8 : memref<!tpu.dma_semaphore, #tpu.memory_space<semaphore_mem>>) src(%dma_wait3A_57 : memref<65536x128xf32, #tpu.memory_space<hbm>>) dst(%arg6 : memref<128x128xf32, #tpu.memory_space<vmem>>)
    %mul3A_58 = arith.constant 1024 : i32
    %mul3A_59 = arith.muli %add3A, %mul3A_58 : i32
    %add3A_60 = arith.constant 256 : i32
    %add3A_61 = arith.addi %mul3A_59, %add3A_60 : i32
    "tpu.region"() ({
      %run_scoped3A = tpu.sem_alloc : memref<!tpu.dma_semaphore, #tpu.memory_space<semaphore_mem>>
      %dma_start3A_145 = arith.constant 0 : i32
      %dma_start3A_146 = tpu.memref_slice %arg4[%add3A_61, %dma_start3A_145] : memref<32768x128xf32, #tpu.memory_space<hbm>> -> memref<128x128xf32, #tpu.memory_space<hbm>>
      %dma_start3A_147 = arith.constant 0 : i32
      %dma_start3A_148 = tpu.memref_slice %arg4[%add3A_61, %dma_start3A_147] : memref<32768x128xf32, #tpu.memory_space<hbm>> -> memref<128x128xf32, #tpu.memory_space<hbm>>
      tpu.enqueue_dma source(%arg6 : memref<128x128xf32, #tpu.memory_space<vmem>>) target(%dma_start3A_148 : memref<128x128xf32, #tpu.memory_space<hbm>>) target_semaphore(%run_scoped3A : memref<!tpu.dma_semaphore, #tpu.memory_space<semaphore_mem>>)
      %dma_wait3A_149 = arith.constant 0 : i32
      %dma_wait3A_150 = tpu.memref_slice %arg4[%add3A_61, %dma_wait3A_149] : memref<32768x128xf32, #tpu.memory_space<hbm>> -> memref<128x128xf32, #tpu.memory_space<hbm>>
      %dma_wait3A_151 = arith.constant 0 : i32
      %dma_wait3A_152 = tpu.memref_slice %arg4[%add3A_61, %dma_wait3A_151] : memref<32768x128xf32, #tpu.memory_space<hbm>> -> memref<128x128xf32, #tpu.memory_space<hbm>>
      tpu.wait_dma2 semaphore(%run_scoped3A : memref<!tpu.dma_semaphore, #tpu.memory_space<semaphore_mem>>) src(%arg6 : memref<128x128xf32, #tpu.memory_space<vmem>>) dst(%dma_wait3A_152 : memref<128x128xf32, #tpu.memory_space<hbm>>)
      tpu.yield
    }) : () -> ()
    %dma_start3A_62 = arith.constant 4 : i32
    %dma_start3A_63 = arith.constant 0 : i32
    %dma_start3A_64 = tpu.memref_slice %arg5[%dma_start3A_62, %dma_start3A_63] : memref<8x128xi32, #tpu.memory_space<vmem>> -> memref<1x128xi32, #tpu.memory_space<vmem>>
    %dma_start3A_65 = tpu.memref_squeeze %dma_start3A_64 : memref<1x128xi32, #tpu.memory_space<vmem>> -> memref<128xi32, #tpu.memory_space<vmem>>
    %dma_start3A_66 = arith.constant 0 : i32
    %dma_start3A_67 = arith.constant 0 : i32
    %dma_start3A_68 = tpu.memref_slice %arg2[%dma_start3A_66, %dma_start3A_67] : memref<65536x128xf32, #tpu.memory_space<hbm>> -> memref<65536x128xf32, #tpu.memory_space<hbm>>
    tpu.enqueue_indirect_dma source(%dma_start3A_68 : memref<65536x128xf32, #tpu.memory_space<hbm>>) target(%arg6 : memref<128x128xf32, #tpu.memory_space<vmem>>) offsets(%dma_start3A_65 : memref<128xi32, #tpu.memory_space<vmem>>) semaphore(%arg8 : memref<!tpu.dma_semaphore, #tpu.memory_space<semaphore_mem>>)
    %dma_wait3A_69 = arith.constant 3 : i32
    %dma_wait3A_70 = arith.constant 0 : i32
    %dma_wait3A_71 = tpu.memref_slice %arg5[%dma_wait3A_69, %dma_wait3A_70] : memref<8x128xi32, #tpu.memory_space<vmem>> -> memref<1x128xi32, #tpu.memory_space<vmem>>
    %dma_wait3A_72 = tpu.memref_squeeze %dma_wait3A_71 : memref<1x128xi32, #tpu.memory_space<vmem>> -> memref<128xi32, #tpu.memory_space<vmem>>
    %dma_wait3A_73 = arith.constant 0 : i32
    %dma_wait3A_74 = arith.constant 0 : i32
    %dma_wait3A_75 = tpu.memref_slice %arg2[%dma_wait3A_73, %dma_wait3A_74] : memref<65536x128xf32, #tpu.memory_space<hbm>> -> memref<65536x128xf32, #tpu.memory_space<hbm>>
    tpu.wait_indirect_dma semaphore(%arg9 : memref<!tpu.dma_semaphore, #tpu.memory_space<semaphore_mem>>) src(%dma_wait3A_75 : memref<65536x128xf32, #tpu.memory_space<hbm>>) dst(%arg7 : memref<128x128xf32, #tpu.memory_space<vmem>>)
    %mul3A_76 = arith.constant 1024 : i32
    %mul3A_77 = arith.muli %add3A, %mul3A_76 : i32
    %add3A_78 = arith.constant 384 : i32
    %add3A_79 = arith.addi %mul3A_77, %add3A_78 : i32
    "tpu.region"() ({
      %run_scoped3A = tpu.sem_alloc : memref<!tpu.dma_semaphore, #tpu.memory_space<semaphore_mem>>
      %dma_start3A_145 = arith.constant 0 : i32
      %dma_start3A_146 = tpu.memref_slice %arg4[%add3A_79, %dma_start3A_145] : memref<32768x128xf32, #tpu.memory_space<hbm>> -> memref<128x128xf32, #tpu.memory_space<hbm>>
      %dma_start3A_147 = arith.constant 0 : i32
      %dma_start3A_148 = tpu.memref_slice %arg4[%add3A_79, %dma_start3A_147] : memref<32768x128xf32, #tpu.memory_space<hbm>> -> memref<128x128xf32, #tpu.memory_space<hbm>>
      tpu.enqueue_dma source(%arg7 : memref<128x128xf32, #tpu.memory_space<vmem>>) target(%dma_start3A_148 : memref<128x128xf32, #tpu.memory_space<hbm>>) target_semaphore(%run_scoped3A : memref<!tpu.dma_semaphore, #tpu.memory_space<semaphore_mem>>)
      %dma_wait3A_149 = arith.constant 0 : i32
      %dma_wait3A_150 = tpu.memref_slice %arg4[%add3A_79, %dma_wait3A_149] : memref<32768x128xf32, #tpu.memory_space<hbm>> -> memref<128x128xf32, #tpu.memory_space<hbm>>
      %dma_wait3A_151 = arith.constant 0 : i32
      %dma_wait3A_152 = tpu.memref_slice %arg4[%add3A_79, %dma_wait3A_151] : memref<32768x128xf32, #tpu.memory_space<hbm>> -> memref<128x128xf32, #tpu.memory_space<hbm>>
      tpu.wait_dma2 semaphore(%run_scoped3A : memref<!tpu.dma_semaphore, #tpu.memory_space<semaphore_mem>>) src(%arg7 : memref<128x128xf32, #tpu.memory_space<vmem>>) dst(%dma_wait3A_152 : memref<128x128xf32, #tpu.memory_space<hbm>>)
      tpu.yield
    }) : () -> ()
    %dma_start3A_80 = arith.constant 5 : i32
    %dma_start3A_81 = arith.constant 0 : i32
    %dma_start3A_82 = tpu.memref_slice %arg5[%dma_start3A_80, %dma_start3A_81] : memref<8x128xi32, #tpu.memory_space<vmem>> -> memref<1x128xi32, #tpu.memory_space<vmem>>
    %dma_start3A_83 = tpu.memref_squeeze %dma_start3A_82 : memref<1x128xi32, #tpu.memory_space<vmem>> -> memref<128xi32, #tpu.memory_space<vmem>>
    %dma_start3A_84 = arith.constant 0 : i32
    %dma_start3A_85 = arith.constant 0 : i32
    %dma_start3A_86 = tpu.memref_slice %arg2[%dma_start3A_84, %dma_start3A_85] : memref<65536x128xf32, #tpu.memory_space<hbm>> -> memref<65536x128xf32, #tpu.memory_space<hbm>>
    tpu.enqueue_indirect_dma source(%dma_start3A_86 : memref<65536x128xf32, #tpu.memory_space<hbm>>) target(%arg7 : memref<128x128xf32, #tpu.memory_space<vmem>>) offsets(%dma_start3A_83 : memref<128xi32, #tpu.memory_space<vmem>>) semaphore(%arg9 : memref<!tpu.dma_semaphore, #tpu.memory_space<semaphore_mem>>)
    %dma_wait3A_87 = arith.constant 4 : i32
    %dma_wait3A_88 = arith.constant 0 : i32
    %dma_wait3A_89 = tpu.memref_slice %arg5[%dma_wait3A_87, %dma_wait3A_88] : memref<8x128xi32, #tpu.memory_space<vmem>> -> memref<1x128xi32, #tpu.memory_space<vmem>>
    %dma_wait3A_90 = tpu.memref_squeeze %dma_wait3A_89 : memref<1x128xi32, #tpu.memory_space<vmem>> -> memref<128xi32, #tpu.memory_space<vmem>>
    %dma_wait3A_91 = arith.constant 0 : i32
    %dma_wait3A_92 = arith.constant 0 : i32
    %dma_wait3A_93 = tpu.memref_slice %arg2[%dma_wait3A_91, %dma_wait3A_92] : memref<65536x128xf32, #tpu.memory_space<hbm>> -> memref<65536x128xf32, #tpu.memory_space<hbm>>
    tpu.wait_indirect_dma semaphore(%arg8 : memref<!tpu.dma_semaphore, #tpu.memory_space<semaphore_mem>>) src(%dma_wait3A_93 : memref<65536x128xf32, #tpu.memory_space<hbm>>) dst(%arg6 : memref<128x128xf32, #tpu.memory_space<vmem>>)
    %mul3A_94 = arith.constant 1024 : i32
    %mul3A_95 = arith.muli %add3A, %mul3A_94 : i32
    %add3A_96 = arith.constant 512 : i32
    %add3A_97 = arith.addi %mul3A_95, %add3A_96 : i32
    "tpu.region"() ({
      %run_scoped3A = tpu.sem_alloc : memref<!tpu.dma_semaphore, #tpu.memory_space<semaphore_mem>>
      %dma_start3A_145 = arith.constant 0 : i32
      %dma_start3A_146 = tpu.memref_slice %arg4[%add3A_97, %dma_start3A_145] : memref<32768x128xf32, #tpu.memory_space<hbm>> -> memref<128x128xf32, #tpu.memory_space<hbm>>
      %dma_start3A_147 = arith.constant 0 : i32
      %dma_start3A_148 = tpu.memref_slice %arg4[%add3A_97, %dma_start3A_147] : memref<32768x128xf32, #tpu.memory_space<hbm>> -> memref<128x128xf32, #tpu.memory_space<hbm>>
      tpu.enqueue_dma source(%arg6 : memref<128x128xf32, #tpu.memory_space<vmem>>) target(%dma_start3A_148 : memref<128x128xf32, #tpu.memory_space<hbm>>) target_semaphore(%run_scoped3A : memref<!tpu.dma_semaphore, #tpu.memory_space<semaphore_mem>>)
      %dma_wait3A_149 = arith.constant 0 : i32
      %dma_wait3A_150 = tpu.memref_slice %arg4[%add3A_97, %dma_wait3A_149] : memref<32768x128xf32, #tpu.memory_space<hbm>> -> memref<128x128xf32, #tpu.memory_space<hbm>>
      %dma_wait3A_151 = arith.constant 0 : i32
      %dma_wait3A_152 = tpu.memref_slice %arg4[%add3A_97, %dma_wait3A_151] : memref<32768x128xf32, #tpu.memory_space<hbm>> -> memref<128x128xf32, #tpu.memory_space<hbm>>
      tpu.wait_dma2 semaphore(%run_scoped3A : memref<!tpu.dma_semaphore, #tpu.memory_space<semaphore_mem>>) src(%arg6 : memref<128x128xf32, #tpu.memory_space<vmem>>) dst(%dma_wait3A_152 : memref<128x128xf32, #tpu.memory_space<hbm>>)
      tpu.yield
    }) : () -> ()
    %dma_start3A_98 = arith.constant 6 : i32
    %dma_start3A_99 = arith.constant 0 : i32
    %dma_start3A_100 = tpu.memref_slice %arg5[%dma_start3A_98, %dma_start3A_99] : memref<8x128xi32, #tpu.memory_space<vmem>> -> memref<1x128xi32, #tpu.memory_space<vmem>>
    %dma_start3A_101 = tpu.memref_squeeze %dma_start3A_100 : memref<1x128xi32, #tpu.memory_space<vmem>> -> memref<128xi32, #tpu.memory_space<vmem>>
    %dma_start3A_102 = arith.constant 0 : i32
    %dma_start3A_103 = arith.constant 0 : i32
    %dma_start3A_104 = tpu.memref_slice %arg2[%dma_start3A_102, %dma_start3A_103] : memref<65536x128xf32, #tpu.memory_space<hbm>> -> memref<65536x128xf32, #tpu.memory_space<hbm>>
    tpu.enqueue_indirect_dma source(%dma_start3A_104 : memref<65536x128xf32, #tpu.memory_space<hbm>>) target(%arg6 : memref<128x128xf32, #tpu.memory_space<vmem>>) offsets(%dma_start3A_101 : memref<128xi32, #tpu.memory_space<vmem>>) semaphore(%arg8 : memref<!tpu.dma_semaphore, #tpu.memory_space<semaphore_mem>>)
    %dma_wait3A_105 = arith.constant 5 : i32
    %dma_wait3A_106 = arith.constant 0 : i32
    %dma_wait3A_107 = tpu.memref_slice %arg5[%dma_wait3A_105, %dma_wait3A_106] : memref<8x128xi32, #tpu.memory_space<vmem>> -> memref<1x128xi32, #tpu.memory_space<vmem>>
    %dma_wait3A_108 = tpu.memref_squeeze %dma_wait3A_107 : memref<1x128xi32, #tpu.memory_space<vmem>> -> memref<128xi32, #tpu.memory_space<vmem>>
    %dma_wait3A_109 = arith.constant 0 : i32
    %dma_wait3A_110 = arith.constant 0 : i32
    %dma_wait3A_111 = tpu.memref_slice %arg2[%dma_wait3A_109, %dma_wait3A_110] : memref<65536x128xf32, #tpu.memory_space<hbm>> -> memref<65536x128xf32, #tpu.memory_space<hbm>>
    tpu.wait_indirect_dma semaphore(%arg9 : memref<!tpu.dma_semaphore, #tpu.memory_space<semaphore_mem>>) src(%dma_wait3A_111 : memref<65536x128xf32, #tpu.memory_space<hbm>>) dst(%arg7 : memref<128x128xf32, #tpu.memory_space<vmem>>)
    %mul3A_112 = arith.constant 1024 : i32
    %mul3A_113 = arith.muli %add3A, %mul3A_112 : i32
    %add3A_114 = arith.constant 640 : i32
    %add3A_115 = arith.addi %mul3A_113, %add3A_114 : i32
    "tpu.region"() ({
      %run_scoped3A = tpu.sem_alloc : memref<!tpu.dma_semaphore, #tpu.memory_space<semaphore_mem>>
      %dma_start3A_145 = arith.constant 0 : i32
      %dma_start3A_146 = tpu.memref_slice %arg4[%add3A_115, %dma_start3A_145] : memref<32768x128xf32, #tpu.memory_space<hbm>> -> memref<128x128xf32, #tpu.memory_space<hbm>>
      %dma_start3A_147 = arith.constant 0 : i32
      %dma_start3A_148 = tpu.memref_slice %arg4[%add3A_115, %dma_start3A_147] : memref<32768x128xf32, #tpu.memory_space<hbm>> -> memref<128x128xf32, #tpu.memory_space<hbm>>
      tpu.enqueue_dma source(%arg7 : memref<128x128xf32, #tpu.memory_space<vmem>>) target(%dma_start3A_148 : memref<128x128xf32, #tpu.memory_space<hbm>>) target_semaphore(%run_scoped3A : memref<!tpu.dma_semaphore, #tpu.memory_space<semaphore_mem>>)
      %dma_wait3A_149 = arith.constant 0 : i32
      %dma_wait3A_150 = tpu.memref_slice %arg4[%add3A_115, %dma_wait3A_149] : memref<32768x128xf32, #tpu.memory_space<hbm>> -> memref<128x128xf32, #tpu.memory_space<hbm>>
      %dma_wait3A_151 = arith.constant 0 : i32
      %dma_wait3A_152 = tpu.memref_slice %arg4[%add3A_115, %dma_wait3A_151] : memref<32768x128xf32, #tpu.memory_space<hbm>> -> memref<128x128xf32, #tpu.memory_space<hbm>>
      tpu.wait_dma2 semaphore(%run_scoped3A : memref<!tpu.dma_semaphore, #tpu.memory_space<semaphore_mem>>) src(%arg7 : memref<128x128xf32, #tpu.memory_space<vmem>>) dst(%dma_wait3A_152 : memref<128x128xf32, #tpu.memory_space<hbm>>)
      tpu.yield
    }) : () -> ()
    %dma_start3A_116 = arith.constant 7 : i32
    %dma_start3A_117 = arith.constant 0 : i32
    %dma_start3A_118 = tpu.memref_slice %arg5[%dma_start3A_116, %dma_start3A_117] : memref<8x128xi32, #tpu.memory_space<vmem>> -> memref<1x128xi32, #tpu.memory_space<vmem>>
    %dma_start3A_119 = tpu.memref_squeeze %dma_start3A_118 : memref<1x128xi32, #tpu.memory_space<vmem>> -> memref<128xi32, #tpu.memory_space<vmem>>
    %dma_start3A_120 = arith.constant 0 : i32
    %dma_start3A_121 = arith.constant 0 : i32
    %dma_start3A_122 = tpu.memref_slice %arg2[%dma_start3A_120, %dma_start3A_121] : memref<65536x128xf32, #tpu.memory_space<hbm>> -> memref<65536x128xf32, #tpu.memory_space<hbm>>
    tpu.enqueue_indirect_dma source(%dma_start3A_122 : memref<65536x128xf32, #tpu.memory_space<hbm>>) target(%arg7 : memref<128x128xf32, #tpu.memory_space<vmem>>) offsets(%dma_start3A_119 : memref<128xi32, #tpu.memory_space<vmem>>) semaphore(%arg9 : memref<!tpu.dma_semaphore, #tpu.memory_space<semaphore_mem>>)
    %dma_wait3A_123 = arith.constant 6 : i32
    %dma_wait3A_124 = arith.constant 0 : i32
    %dma_wait3A_125 = tpu.memref_slice %arg5[%dma_wait3A_123, %dma_wait3A_124] : memref<8x128xi32, #tpu.memory_space<vmem>> -> memref<1x128xi32, #tpu.memory_space<vmem>>
    %dma_wait3A_126 = tpu.memref_squeeze %dma_wait3A_125 : memref<1x128xi32, #tpu.memory_space<vmem>> -> memref<128xi32, #tpu.memory_space<vmem>>
    %dma_wait3A_127 = arith.constant 0 : i32
    %dma_wait3A_128 = arith.constant 0 : i32
    %dma_wait3A_129 = tpu.memref_slice %arg2[%dma_wait3A_127, %dma_wait3A_128] : memref<65536x128xf32, #tpu.memory_space<hbm>> -> memref<65536x128xf32, #tpu.memory_space<hbm>>
    tpu.wait_indirect_dma semaphore(%arg8 : memref<!tpu.dma_semaphore, #tpu.memory_space<semaphore_mem>>) src(%dma_wait3A_129 : memref<65536x128xf32, #tpu.memory_space<hbm>>) dst(%arg6 : memref<128x128xf32, #tpu.memory_space<vmem>>)
    %mul3A_130 = arith.constant 1024 : i32
    %mul3A_131 = arith.muli %add3A, %mul3A_130 : i32
    %add3A_132 = arith.constant 768 : i32
    %add3A_133 = arith.addi %mul3A_131, %add3A_132 : i32
    "tpu.region"() ({
      %run_scoped3A = tpu.sem_alloc : memref<!tpu.dma_semaphore, #tpu.memory_space<semaphore_mem>>
      %dma_start3A_145 = arith.constant 0 : i32
      %dma_start3A_146 = tpu.memref_slice %arg4[%add3A_133, %dma_start3A_145] : memref<32768x128xf32, #tpu.memory_space<hbm>> -> memref<128x128xf32, #tpu.memory_space<hbm>>
      %dma_start3A_147 = arith.constant 0 : i32
      %dma_start3A_148 = tpu.memref_slice %arg4[%add3A_133, %dma_start3A_147] : memref<32768x128xf32, #tpu.memory_space<hbm>> -> memref<128x128xf32, #tpu.memory_space<hbm>>
      tpu.enqueue_dma source(%arg6 : memref<128x128xf32, #tpu.memory_space<vmem>>) target(%dma_start3A_148 : memref<128x128xf32, #tpu.memory_space<hbm>>) target_semaphore(%run_scoped3A : memref<!tpu.dma_semaphore, #tpu.memory_space<semaphore_mem>>)
      %dma_wait3A_149 = arith.constant 0 : i32
      %dma_wait3A_150 = tpu.memref_slice %arg4[%add3A_133, %dma_wait3A_149] : memref<32768x128xf32, #tpu.memory_space<hbm>> -> memref<128x128xf32, #tpu.memory_space<hbm>>
      %dma_wait3A_151 = arith.constant 0 : i32
      %dma_wait3A_152 = tpu.memref_slice %arg4[%add3A_133, %dma_wait3A_151] : memref<32768x128xf32, #tpu.memory_space<hbm>> -> memref<128x128xf32, #tpu.memory_space<hbm>>
      tpu.wait_dma2 semaphore(%run_scoped3A : memref<!tpu.dma_semaphore, #tpu.memory_space<semaphore_mem>>) src(%arg6 : memref<128x128xf32, #tpu.memory_space<vmem>>) dst(%dma_wait3A_152 : memref<128x128xf32, #tpu.memory_space<hbm>>)
      tpu.yield
    }) : () -> ()
    %dma_wait3A_134 = arith.constant 7 : i32
    %dma_wait3A_135 = arith.constant 0 : i32
    %dma_wait3A_136 = tpu.memref_slice %arg5[%dma_wait3A_134, %dma_wait3A_135] : memref<8x128xi32, #tpu.memory_space<vmem>> -> memref<1x128xi32, #tpu.memory_space<vmem>>
    %dma_wait3A_137 = tpu.memref_squeeze %dma_wait3A_136 : memref<1x128xi32, #tpu.memory_space<vmem>> -> memref<128xi32, #tpu.memory_space<vmem>>
    %dma_wait3A_138 = arith.constant 0 : i32
    %dma_wait3A_139 = arith.constant 0 : i32
    %dma_wait3A_140 = tpu.memref_slice %arg2[%dma_wait3A_138, %dma_wait3A_139] : memref<65536x128xf32, #tpu.memory_space<hbm>> -> memref<65536x128xf32, #tpu.memory_space<hbm>>
    tpu.wait_indirect_dma semaphore(%arg9 : memref<!tpu.dma_semaphore, #tpu.memory_space<semaphore_mem>>) src(%dma_wait3A_140 : memref<65536x128xf32, #tpu.memory_space<hbm>>) dst(%arg7 : memref<128x128xf32, #tpu.memory_space<vmem>>)
    %mul3A_141 = arith.constant 1024 : i32
    %mul3A_142 = arith.muli %add3A, %mul3A_141 : i32
    %add3A_143 = arith.constant 896 : i32
    %add3A_144 = arith.addi %mul3A_142, %add3A_143 : i32
    "tpu.region"() ({
      %run_scoped3A = tpu.sem_alloc : memref<!tpu.dma_semaphore, #tpu.memory_space<semaphore_mem>>
      %dma_start3A_145 = arith.constant 0 : i32
      %dma_start3A_146 = tpu.memref_slice %arg4[%add3A_144, %dma_start3A_145] : memref<32768x128xf32, #tpu.memory_space<hbm>> -> memref<128x128xf32, #tpu.memory_space<hbm>>
      %dma_start3A_147 = arith.constant 0 : i32
      %dma_start3A_148 = tpu.memref_slice %arg4[%add3A_144, %dma_start3A_147] : memref<32768x128xf32, #tpu.memory_space<hbm>> -> memref<128x128xf32, #tpu.memory_space<hbm>>
      tpu.enqueue_dma source(%arg7 : memref<128x128xf32, #tpu.memory_space<vmem>>) target(%dma_start3A_148 : memref<128x128xf32, #tpu.memory_space<hbm>>) target_semaphore(%run_scoped3A : memref<!tpu.dma_semaphore, #tpu.memory_space<semaphore_mem>>)
      %dma_wait3A_149 = arith.constant 0 : i32
      %dma_wait3A_150 = tpu.memref_slice %arg4[%add3A_144, %dma_wait3A_149] : memref<32768x128xf32, #tpu.memory_space<hbm>> -> memref<128x128xf32, #tpu.memory_space<hbm>>
      %dma_wait3A_151 = arith.constant 0 : i32
      %dma_wait3A_152 = tpu.memref_slice %arg4[%add3A_144, %dma_wait3A_151] : memref<32768x128xf32, #tpu.memory_space<hbm>> -> memref<128x128xf32, #tpu.memory_space<hbm>>
      tpu.wait_dma2 semaphore(%run_scoped3A : memref<!tpu.dma_semaphore, #tpu.memory_space<semaphore_mem>>) src(%arg7 : memref<128x128xf32, #tpu.memory_space<vmem>>) dst(%dma_wait3A_152 : memref<128x128xf32, #tpu.memory_space<hbm>>)
      tpu.yield
    }) : () -> ()
    return
  }
}

module attributes {stable_mosaic.version = 14 : i64} {
  func.func @_comp_body(%arg0: i32, %arg1: memref<16x512xf32, #tpu.memory_space<vmem>>, %arg2: memref<8192x64xf32, #tpu.memory_space<vmem>>, %arg3: memref<8192x64xf32, #tpu.memory_space<vmem>>, %arg4: memref<8x512xi32, #tpu.memory_space<vmem>>, %arg5: memref<8192x128xf32, #tpu.memory_space<vmem>>) attributes {dimension_semantics = [#tpu.dimension_semantics<arbitrary>], iteration_bounds = array<i64: 8>, scalar_prefetch = 0 : i64, scratch_operands = 0 : i64, tpu.core_type = #tpu.core_type<tc>, window_params = [{transform_indices = @transform_0, window_bounds = array<i64: 16, 512>}, {transform_indices = @transform_1, window_bounds = array<i64: 8192, 64>}, {transform_indices = @transform_2, window_bounds = array<i64: 8192, 64>}, {transform_indices = @transform_3, window_bounds = array<i64: 8, 512>}, {transform_indices = @transform_4, window_bounds = array<i64: 8192, 128>}]} {
    %mul3A = arith.constant 512 : i32
    %mul3A_0 = arith.muli %arg0, %mul3A : i32
    %iota3A = tpu.iota {dimensions = array<i32: 0>} : vector<8x16x512xi32>
    %iota3A_1 = tpu.iota {dimensions = array<i32: 1>} : vector<8x16x512xi32>
    %iota3A_2 = tpu.iota {dimensions = array<i32: 2>} : vector<8x16x512xi32>
    %mul3A_3 = arith.constant 65536 : i32
    %mul3A_4 = vector.broadcast %mul3A_3 : i32 to vector<8x16x512xi32>
    %mul3A_5 = arith.muli %iota3A, %mul3A_4 : vector<8x16x512xi32>
    %add3A = vector.broadcast %mul3A_0 : i32 to vector<8x16x512xi32>
    %add3A_6 = arith.addi %iota3A_2, %add3A : vector<8x16x512xi32>
    %mul3A_7 = arith.constant 16 : i32
    %mul3A_8 = vector.broadcast %mul3A_7 : i32 to vector<8x16x512xi32>
    %mul3A_9 = arith.muli %add3A_6, %mul3A_8 : vector<8x16x512xi32>
    %add3A_10 = arith.addi %mul3A_5, %mul3A_9 : vector<8x16x512xi32>
    %add3A_11 = arith.addi %add3A_10, %iota3A_1 : vector<8x16x512xi32>
    %broadcast_in_dim3A = arith.constant 1832780943 : i32
    %broadcast_in_dim3A_12 = vector.broadcast %broadcast_in_dim3A : i32 to vector<8x16x512xi32>
    %add3A_13 = arith.constant 270669613 : i32
    %add3A_14 = vector.broadcast %add3A_13 : i32 to vector<8x16x512xi32>
    %add3A_15 = arith.addi %add3A_11, %add3A_14 : vector<8x16x512xi32>
    %add3A_16 = arith.addi %broadcast_in_dim3A_12, %add3A_15 : vector<8x16x512xi32>
    %shift_left3A = arith.constant 13 : i32
    %shift_left3A_17 = vector.broadcast %shift_left3A : i32 to vector<8x16x512xi32>
    %shift_left3A_18 = arith.shli %add3A_15, %shift_left3A_17 : vector<8x16x512xi32>
    %shift_right_logical3A = arith.constant 19 : i32
    %shift_right_logical3A_19 = vector.broadcast %shift_right_logical3A : i32 to vector<8x16x512xi32>
    %shift_right_logical3A_20 = arith.shrui %add3A_15, %shift_right_logical3A_19 : vector<8x16x512xi32>
    %or3A = arith.ori %shift_left3A_18, %shift_right_logical3A_20 : vector<8x16x512xi32>
    %xor3A = arith.xori %or3A, %add3A_16 : vector<8x16x512xi32>
    %add3A_21 = arith.addi %add3A_16, %xor3A : vector<8x16x512xi32>
    %shift_left3A_22 = arith.constant 15 : i32
    %shift_left3A_23 = vector.broadcast %shift_left3A_22 : i32 to vector<8x16x512xi32>
    %shift_left3A_24 = arith.shli %xor3A, %shift_left3A_23 : vector<8x16x512xi32>
    %shift_right_logical3A_25 = arith.constant 17 : i32
    %shift_right_logical3A_26 = vector.broadcast %shift_right_logical3A_25 : i32 to vector<8x16x512xi32>
    %shift_right_logical3A_27 = arith.shrui %xor3A, %shift_right_logical3A_26 : vector<8x16x512xi32>
    %or3A_28 = arith.ori %shift_left3A_24, %shift_right_logical3A_27 : vector<8x16x512xi32>
    %xor3A_29 = arith.xori %or3A_28, %add3A_21 : vector<8x16x512xi32>
    %add3A_30 = arith.addi %add3A_21, %xor3A_29 : vector<8x16x512xi32>
    %shift_left3A_31 = arith.constant 26 : i32
    %shift_left3A_32 = vector.broadcast %shift_left3A_31 : i32 to vector<8x16x512xi32>
    %shift_left3A_33 = arith.shli %xor3A_29, %shift_left3A_32 : vector<8x16x512xi32>
    %shift_right_logical3A_34 = arith.constant 6 : i32
    %shift_right_logical3A_35 = vector.broadcast %shift_right_logical3A_34 : i32 to vector<8x16x512xi32>
    %shift_right_logical3A_36 = arith.shrui %xor3A_29, %shift_right_logical3A_35 : vector<8x16x512xi32>
    %or3A_37 = arith.ori %shift_left3A_33, %shift_right_logical3A_36 : vector<8x16x512xi32>
    %xor3A_38 = arith.xori %or3A_37, %add3A_30 : vector<8x16x512xi32>
    %add3A_39 = arith.addi %add3A_30, %xor3A_38 : vector<8x16x512xi32>
    %shift_left3A_40 = arith.constant 6 : i32
    %shift_left3A_41 = vector.broadcast %shift_left3A_40 : i32 to vector<8x16x512xi32>
    %shift_left3A_42 = arith.shli %xor3A_38, %shift_left3A_41 : vector<8x16x512xi32>
    %shift_right_logical3A_43 = arith.constant 26 : i32
    %shift_right_logical3A_44 = vector.broadcast %shift_right_logical3A_43 : i32 to vector<8x16x512xi32>
    %shift_right_logical3A_45 = arith.shrui %xor3A_38, %shift_right_logical3A_44 : vector<8x16x512xi32>
    %or3A_46 = arith.ori %shift_left3A_42, %shift_right_logical3A_45 : vector<8x16x512xi32>
    %xor3A_47 = arith.xori %or3A_46, %add3A_39 : vector<8x16x512xi32>
    %add3A_48 = arith.constant 270669613 : i32
    %add3A_49 = vector.broadcast %add3A_48 : i32 to vector<8x16x512xi32>
    %add3A_50 = arith.addi %add3A_39, %add3A_49 : vector<8x16x512xi32>
    %add3A_51 = arith.constant 1724713081 : i32
    %add3A_52 = vector.broadcast %add3A_51 : i32 to vector<8x16x512xi32>
    %add3A_53 = arith.addi %xor3A_47, %add3A_52 : vector<8x16x512xi32>
    %add3A_54 = arith.addi %add3A_50, %add3A_53 : vector<8x16x512xi32>
    %shift_left3A_55 = arith.constant 17 : i32
    %shift_left3A_56 = vector.broadcast %shift_left3A_55 : i32 to vector<8x16x512xi32>
    %shift_left3A_57 = arith.shli %add3A_53, %shift_left3A_56 : vector<8x16x512xi32>
    %shift_right_logical3A_58 = arith.constant 15 : i32
    %shift_right_logical3A_59 = vector.broadcast %shift_right_logical3A_58 : i32 to vector<8x16x512xi32>
    %shift_right_logical3A_60 = arith.shrui %add3A_53, %shift_right_logical3A_59 : vector<8x16x512xi32>
    %or3A_61 = arith.ori %shift_left3A_57, %shift_right_logical3A_60 : vector<8x16x512xi32>
    %xor3A_62 = arith.xori %or3A_61, %add3A_54 : vector<8x16x512xi32>
    %add3A_63 = arith.addi %add3A_54, %xor3A_62 : vector<8x16x512xi32>
    %shift_left3A_64 = arith.constant 29 : i32
    %shift_left3A_65 = vector.broadcast %shift_left3A_64 : i32 to vector<8x16x512xi32>
    %shift_left3A_66 = arith.shli %xor3A_62, %shift_left3A_65 : vector<8x16x512xi32>
    %shift_right_logical3A_67 = arith.constant 3 : i32
    %shift_right_logical3A_68 = vector.broadcast %shift_right_logical3A_67 : i32 to vector<8x16x512xi32>
    %shift_right_logical3A_69 = arith.shrui %xor3A_62, %shift_right_logical3A_68 : vector<8x16x512xi32>
    %or3A_70 = arith.ori %shift_left3A_66, %shift_right_logical3A_69 : vector<8x16x512xi32>
    %xor3A_71 = arith.xori %or3A_70, %add3A_63 : vector<8x16x512xi32>
    %add3A_72 = arith.addi %add3A_63, %xor3A_71 : vector<8x16x512xi32>
    %shift_left3A_73 = arith.constant 16 : i32
    %shift_left3A_74 = vector.broadcast %shift_left3A_73 : i32 to vector<8x16x512xi32>
    %shift_left3A_75 = arith.shli %xor3A_71, %shift_left3A_74 : vector<8x16x512xi32>
    %shift_right_logical3A_76 = arith.constant 16 : i32
    %shift_right_logical3A_77 = vector.broadcast %shift_right_logical3A_76 : i32 to vector<8x16x512xi32>
    %shift_right_logical3A_78 = arith.shrui %xor3A_71, %shift_right_logical3A_77 : vector<8x16x512xi32>
    %or3A_79 = arith.ori %shift_left3A_75, %shift_right_logical3A_78 : vector<8x16x512xi32>
    %xor3A_80 = arith.xori %or3A_79, %add3A_72 : vector<8x16x512xi32>
    %add3A_81 = arith.addi %add3A_72, %xor3A_80 : vector<8x16x512xi32>
    %shift_left3A_82 = arith.constant 24 : i32
    %shift_left3A_83 = vector.broadcast %shift_left3A_82 : i32 to vector<8x16x512xi32>
    %shift_left3A_84 = arith.shli %xor3A_80, %shift_left3A_83 : vector<8x16x512xi32>
    %shift_right_logical3A_85 = arith.constant 8 : i32
    %shift_right_logical3A_86 = vector.broadcast %shift_right_logical3A_85 : i32 to vector<8x16x512xi32>
    %shift_right_logical3A_87 = arith.shrui %xor3A_80, %shift_right_logical3A_86 : vector<8x16x512xi32>
    %or3A_88 = arith.ori %shift_left3A_84, %shift_right_logical3A_87 : vector<8x16x512xi32>
    %xor3A_89 = arith.xori %or3A_88, %add3A_81 : vector<8x16x512xi32>
    %add3A_90 = arith.constant 1724713080 : i32
    %add3A_91 = vector.broadcast %add3A_90 : i32 to vector<8x16x512xi32>
    %add3A_92 = arith.addi %add3A_81, %add3A_91 : vector<8x16x512xi32>
    %add3A_93 = arith.constant 1832780945 : i32
    %add3A_94 = vector.broadcast %add3A_93 : i32 to vector<8x16x512xi32>
    %add3A_95 = arith.addi %xor3A_89, %add3A_94 : vector<8x16x512xi32>
    %add3A_96 = arith.addi %add3A_92, %add3A_95 : vector<8x16x512xi32>
    %shift_left3A_97 = arith.constant 13 : i32
    %shift_left3A_98 = vector.broadcast %shift_left3A_97 : i32 to vector<8x16x512xi32>
    %shift_left3A_99 = arith.shli %add3A_95, %shift_left3A_98 : vector<8x16x512xi32>
    %shift_right_logical3A_100 = arith.constant 19 : i32
    %shift_right_logical3A_101 = vector.broadcast %shift_right_logical3A_100 : i32 to vector<8x16x512xi32>
    %shift_right_logical3A_102 = arith.shrui %add3A_95, %shift_right_logical3A_101 : vector<8x16x512xi32>
    %or3A_103 = arith.ori %shift_left3A_99, %shift_right_logical3A_102 : vector<8x16x512xi32>
    %xor3A_104 = arith.xori %or3A_103, %add3A_96 : vector<8x16x512xi32>
    %add3A_105 = arith.addi %add3A_96, %xor3A_104 : vector<8x16x512xi32>
    %shift_left3A_106 = arith.constant 15 : i32
    %shift_left3A_107 = vector.broadcast %shift_left3A_106 : i32 to vector<8x16x512xi32>
    %shift_left3A_108 = arith.shli %xor3A_104, %shift_left3A_107 : vector<8x16x512xi32>
    %shift_right_logical3A_109 = arith.constant 17 : i32
    %shift_right_logical3A_110 = vector.broadcast %shift_right_logical3A_109 : i32 to vector<8x16x512xi32>
    %shift_right_logical3A_111 = arith.shrui %xor3A_104, %shift_right_logical3A_110 : vector<8x16x512xi32>
    %or3A_112 = arith.ori %shift_left3A_108, %shift_right_logical3A_111 : vector<8x16x512xi32>
    %xor3A_113 = arith.xori %or3A_112, %add3A_105 : vector<8x16x512xi32>
    %add3A_114 = arith.addi %add3A_105, %xor3A_113 : vector<8x16x512xi32>
    %shift_left3A_115 = arith.constant 26 : i32
    %shift_left3A_116 = vector.broadcast %shift_left3A_115 : i32 to vector<8x16x512xi32>
    %shift_left3A_117 = arith.shli %xor3A_113, %shift_left3A_116 : vector<8x16x512xi32>
    %shift_right_logical3A_118 = arith.constant 6 : i32
    %shift_right_logical3A_119 = vector.broadcast %shift_right_logical3A_118 : i32 to vector<8x16x512xi32>
    %shift_right_logical3A_120 = arith.shrui %xor3A_113, %shift_right_logical3A_119 : vector<8x16x512xi32>
    %or3A_121 = arith.ori %shift_left3A_117, %shift_right_logical3A_120 : vector<8x16x512xi32>
    %xor3A_122 = arith.xori %or3A_121, %add3A_114 : vector<8x16x512xi32>
    %add3A_123 = arith.addi %add3A_114, %xor3A_122 : vector<8x16x512xi32>
    %shift_left3A_124 = arith.constant 6 : i32
    %shift_left3A_125 = vector.broadcast %shift_left3A_124 : i32 to vector<8x16x512xi32>
    %shift_left3A_126 = arith.shli %xor3A_122, %shift_left3A_125 : vector<8x16x512xi32>
    %shift_right_logical3A_127 = arith.constant 26 : i32
    %shift_right_logical3A_128 = vector.broadcast %shift_right_logical3A_127 : i32 to vector<8x16x512xi32>
    %shift_right_logical3A_129 = arith.shrui %xor3A_122, %shift_right_logical3A_128 : vector<8x16x512xi32>
    %or3A_130 = arith.ori %shift_left3A_126, %shift_right_logical3A_129 : vector<8x16x512xi32>
    %xor3A_131 = arith.xori %or3A_130, %add3A_123 : vector<8x16x512xi32>
    %add3A_132 = arith.constant 1832780943 : i32
    %add3A_133 = vector.broadcast %add3A_132 : i32 to vector<8x16x512xi32>
    %add3A_134 = arith.addi %add3A_123, %add3A_133 : vector<8x16x512xi32>
    %add3A_135 = arith.constant 270669616 : i32
    %add3A_136 = vector.broadcast %add3A_135 : i32 to vector<8x16x512xi32>
    %add3A_137 = arith.addi %xor3A_131, %add3A_136 : vector<8x16x512xi32>
    %add3A_138 = arith.addi %add3A_134, %add3A_137 : vector<8x16x512xi32>
    %shift_left3A_139 = arith.constant 17 : i32
    %shift_left3A_140 = vector.broadcast %shift_left3A_139 : i32 to vector<8x16x512xi32>
    %shift_left3A_141 = arith.shli %add3A_137, %shift_left3A_140 : vector<8x16x512xi32>
    %shift_right_logical3A_142 = arith.constant 15 : i32
    %shift_right_logical3A_143 = vector.broadcast %shift_right_logical3A_142 : i32 to vector<8x16x512xi32>
    %shift_right_logical3A_144 = arith.shrui %add3A_137, %shift_right_logical3A_143 : vector<8x16x512xi32>
    %or3A_145 = arith.ori %shift_left3A_141, %shift_right_logical3A_144 : vector<8x16x512xi32>
    %xor3A_146 = arith.xori %or3A_145, %add3A_138 : vector<8x16x512xi32>
    %add3A_147 = arith.addi %add3A_138, %xor3A_146 : vector<8x16x512xi32>
    %shift_left3A_148 = arith.constant 29 : i32
    %shift_left3A_149 = vector.broadcast %shift_left3A_148 : i32 to vector<8x16x512xi32>
    %shift_left3A_150 = arith.shli %xor3A_146, %shift_left3A_149 : vector<8x16x512xi32>
    %shift_right_logical3A_151 = arith.constant 3 : i32
    %shift_right_logical3A_152 = vector.broadcast %shift_right_logical3A_151 : i32 to vector<8x16x512xi32>
    %shift_right_logical3A_153 = arith.shrui %xor3A_146, %shift_right_logical3A_152 : vector<8x16x512xi32>
    %or3A_154 = arith.ori %shift_left3A_150, %shift_right_logical3A_153 : vector<8x16x512xi32>
    %xor3A_155 = arith.xori %or3A_154, %add3A_147 : vector<8x16x512xi32>
    %add3A_156 = arith.addi %add3A_147, %xor3A_155 : vector<8x16x512xi32>
    %shift_left3A_157 = arith.constant 16 : i32
    %shift_left3A_158 = vector.broadcast %shift_left3A_157 : i32 to vector<8x16x512xi32>
    %shift_left3A_159 = arith.shli %xor3A_155, %shift_left3A_158 : vector<8x16x512xi32>
    %shift_right_logical3A_160 = arith.constant 16 : i32
    %shift_right_logical3A_161 = vector.broadcast %shift_right_logical3A_160 : i32 to vector<8x16x512xi32>
    %shift_right_logical3A_162 = arith.shrui %xor3A_155, %shift_right_logical3A_161 : vector<8x16x512xi32>
    %or3A_163 = arith.ori %shift_left3A_159, %shift_right_logical3A_162 : vector<8x16x512xi32>
    %xor3A_164 = arith.xori %or3A_163, %add3A_156 : vector<8x16x512xi32>
    %add3A_165 = arith.addi %add3A_156, %xor3A_164 : vector<8x16x512xi32>
    %shift_left3A_166 = arith.constant 24 : i32
    %shift_left3A_167 = vector.broadcast %shift_left3A_166 : i32 to vector<8x16x512xi32>
    %shift_left3A_168 = arith.shli %xor3A_164, %shift_left3A_167 : vector<8x16x512xi32>
    %shift_right_logical3A_169 = arith.constant 8 : i32
    %shift_right_logical3A_170 = vector.broadcast %shift_right_logical3A_169 : i32 to vector<8x16x512xi32>
    %shift_right_logical3A_171 = arith.shrui %xor3A_164, %shift_right_logical3A_170 : vector<8x16x512xi32>
    %or3A_172 = arith.ori %shift_left3A_168, %shift_right_logical3A_171 : vector<8x16x512xi32>
    %xor3A_173 = arith.xori %or3A_172, %add3A_165 : vector<8x16x512xi32>
    %add3A_174 = arith.constant 270669613 : i32
    %add3A_175 = vector.broadcast %add3A_174 : i32 to vector<8x16x512xi32>
    %add3A_176 = arith.addi %add3A_165, %add3A_175 : vector<8x16x512xi32>
    %add3A_177 = arith.constant 1724713084 : i32
    %add3A_178 = vector.broadcast %add3A_177 : i32 to vector<8x16x512xi32>
    %add3A_179 = arith.addi %xor3A_173, %add3A_178 : vector<8x16x512xi32>
    %add3A_180 = arith.addi %add3A_176, %add3A_179 : vector<8x16x512xi32>
    %shift_left3A_181 = arith.constant 13 : i32
    %shift_left3A_182 = vector.broadcast %shift_left3A_181 : i32 to vector<8x16x512xi32>
    %shift_left3A_183 = arith.shli %add3A_179, %shift_left3A_182 : vector<8x16x512xi32>
    %shift_right_logical3A_184 = arith.constant 19 : i32
    %shift_right_logical3A_185 = vector.broadcast %shift_right_logical3A_184 : i32 to vector<8x16x512xi32>
    %shift_right_logical3A_186 = arith.shrui %add3A_179, %shift_right_logical3A_185 : vector<8x16x512xi32>
    %or3A_187 = arith.ori %shift_left3A_183, %shift_right_logical3A_186 : vector<8x16x512xi32>
    %xor3A_188 = arith.xori %or3A_187, %add3A_180 : vector<8x16x512xi32>
    %add3A_189 = arith.addi %add3A_180, %xor3A_188 : vector<8x16x512xi32>
    %shift_left3A_190 = arith.constant 15 : i32
    %shift_left3A_191 = vector.broadcast %shift_left3A_190 : i32 to vector<8x16x512xi32>
    %shift_left3A_192 = arith.shli %xor3A_188, %shift_left3A_191 : vector<8x16x512xi32>
    %shift_right_logical3A_193 = arith.constant 17 : i32
    %shift_right_logical3A_194 = vector.broadcast %shift_right_logical3A_193 : i32 to vector<8x16x512xi32>
    %shift_right_logical3A_195 = arith.shrui %xor3A_188, %shift_right_logical3A_194 : vector<8x16x512xi32>
    %or3A_196 = arith.ori %shift_left3A_192, %shift_right_logical3A_195 : vector<8x16x512xi32>
    %xor3A_197 = arith.xori %or3A_196, %add3A_189 : vector<8x16x512xi32>
    %add3A_198 = arith.addi %add3A_189, %xor3A_197 : vector<8x16x512xi32>
    %shift_left3A_199 = arith.constant 26 : i32
    %shift_left3A_200 = vector.broadcast %shift_left3A_199 : i32 to vector<8x16x512xi32>
    %shift_left3A_201 = arith.shli %xor3A_197, %shift_left3A_200 : vector<8x16x512xi32>
    %shift_right_logical3A_202 = arith.constant 6 : i32
    %shift_right_logical3A_203 = vector.broadcast %shift_right_logical3A_202 : i32 to vector<8x16x512xi32>
    %shift_right_logical3A_204 = arith.shrui %xor3A_197, %shift_right_logical3A_203 : vector<8x16x512xi32>
    %or3A_205 = arith.ori %shift_left3A_201, %shift_right_logical3A_204 : vector<8x16x512xi32>
    %xor3A_206 = arith.xori %or3A_205, %add3A_198 : vector<8x16x512xi32>
    %add3A_207 = arith.addi %add3A_198, %xor3A_206 : vector<8x16x512xi32>
    %shift_left3A_208 = arith.constant 6 : i32
    %shift_left3A_209 = vector.broadcast %shift_left3A_208 : i32 to vector<8x16x512xi32>
    %shift_left3A_210 = arith.shli %xor3A_206, %shift_left3A_209 : vector<8x16x512xi32>
    %shift_right_logical3A_211 = arith.constant 26 : i32
    %shift_right_logical3A_212 = vector.broadcast %shift_right_logical3A_211 : i32 to vector<8x16x512xi32>
    %shift_right_logical3A_213 = arith.shrui %xor3A_206, %shift_right_logical3A_212 : vector<8x16x512xi32>
    %or3A_214 = arith.ori %shift_left3A_210, %shift_right_logical3A_213 : vector<8x16x512xi32>
    %xor3A_215 = arith.xori %or3A_214, %add3A_207 : vector<8x16x512xi32>
    %add3A_216 = arith.constant 1724713080 : i32
    %add3A_217 = vector.broadcast %add3A_216 : i32 to vector<8x16x512xi32>
    %add3A_218 = arith.addi %add3A_207, %add3A_217 : vector<8x16x512xi32>
    %add3A_219 = arith.constant 1832780948 : i32
    %add3A_220 = vector.broadcast %add3A_219 : i32 to vector<8x16x512xi32>
    %add3A_221 = arith.addi %xor3A_215, %add3A_220 : vector<8x16x512xi32>
    %xor3A_222 = arith.xori %add3A_218, %add3A_221 : vector<8x16x512xi32>
    %shift_right_logical3A_223 = arith.constant 9 : i32
    %shift_right_logical3A_224 = vector.broadcast %shift_right_logical3A_223 : i32 to vector<8x16x512xi32>
    %shift_right_logical3A_225 = arith.shrui %xor3A_222, %shift_right_logical3A_224 : vector<8x16x512xi32>
    %or3A_226 = arith.constant 1065353216 : i32
    %or3A_227 = vector.broadcast %or3A_226 : i32 to vector<8x16x512xi32>
    %or3A_228 = arith.ori %shift_right_logical3A_225, %or3A_227 : vector<8x16x512xi32>
    %bitcast_convert_type3A = tpu.bitcast %or3A_228 : vector<8x16x512xi32> -> vector<8x16x512xf32>
    %sub3A = arith.constant 1.000000e+00 : f32
    %sub3A_229 = vector.broadcast %sub3A : f32 to vector<8x16x512xf32>
    %sub3A_230 = arith.subf %bitcast_convert_type3A, %sub3A_229 : vector<8x16x512xf32>
    %mul3A_231 = arith.constant 1.000000e+00 : f32
    %mul3A_232 = vector.broadcast %mul3A_231 : f32 to vector<8x16x512xf32>
    %mul3A_233 = arith.mulf %sub3A_230, %mul3A_232 : vector<8x16x512xf32>
    %add3A_234 = arith.constant 1.17549435E-38 : f32
    %add3A_235 = vector.broadcast %add3A_234 : f32 to vector<8x16x512xf32>
    %add3A_236 = arith.addf %mul3A_233, %add3A_235 : vector<8x16x512xf32>
    %max3A = arith.constant 1.17549435E-38 : f32
    %max3A_237 = vector.broadcast %max3A : f32 to vector<8x16x512xf32>
    %max3A_238 = arith.maximumf %max3A_237, %add3A_236 : vector<8x16x512xf32>
    %log3A = math.log %max3A_238 : vector<8x16x512xf32>
    %neg3A = arith.constant 0.000000e+00 : f32
    %neg3A_239 = vector.broadcast %neg3A : f32 to vector<8x16x512xf32>
    %neg3A_240 = arith.subf %neg3A_239, %log3A : vector<8x16x512xf32>
    %log3A_241 = math.log %neg3A_240 : vector<8x16x512xf32>
    %neg3A_242 = arith.constant 0.000000e+00 : f32
    %neg3A_243 = vector.broadcast %neg3A_242 : f32 to vector<8x16x512xf32>
    %neg3A_244 = arith.subf %neg3A_243, %log3A_241 : vector<8x16x512xf32>
    %get3A = arith.constant 0 : index
    %get3A_245 = arith.constant 0 : index
    %get3A_246 = vector.load %arg1[%get3A, %get3A_245] : memref<16x512xf32, #tpu.memory_space<vmem>>, vector<16x512xf32>
    %broadcast_in_dim3A_247 = vector.shape_cast %get3A_246 : vector<16x512xf32> to vector<1x16x512xf32>
    %add3A_248 = vector.broadcast %broadcast_in_dim3A_247 : vector<1x16x512xf32> to vector<8x16x512xf32>
    %add3A_249 = arith.addf %neg3A_244, %add3A_248 : vector<8x16x512xf32>
    %reduce_max3A = arith.constant dense<0xFF800000> : vector<8x512xf32>
    %reduce_max3A_250 = vector.multi_reduction <maximumf>, %add3A_249, %reduce_max3A [1] : vector<8x16x512xf32> to vector<8x512xf32>
    %broadcast_in_dim3A_251 = vector.shape_cast %reduce_max3A_250 : vector<8x512xf32> to vector<8x1x512xf32>
    %convert_element_type3A = arith.uitofp %iota3A_1 : vector<8x16x512xi32> to vector<8x16x512xf32>
    %eq3A = vector.broadcast %broadcast_in_dim3A_251 : vector<8x1x512xf32> to vector<8x16x512xf32>
    %eq3A_252 = arith.cmpf oeq, %add3A_249, %eq3A : vector<8x16x512xf32>
    %jit3A = arith.constant 1.600000e+01 : f32
    %broadcast_in_dim3A_253 = vector.broadcast %jit3A : f32 to vector<8x16x512xf32>
    %select_n3A = arith.select %eq3A_252, %convert_element_type3A, %broadcast_in_dim3A_253 : vector<8x16x512xi1>, vector<8x16x512xf32>
    %reduce_min3A = arith.constant dense<0x7F800000> : vector<8x512xf32>
    %reduce_min3A_254 = vector.multi_reduction <minimumf>, %select_n3A, %reduce_min3A [1] : vector<8x16x512xf32> to vector<8x512xf32>
    %iota3A_255 = tpu.iota {dimensions = array<i32: 1>} : vector<8x512xi32>
    %mul3A_256 = arith.constant 512 : i32
    %mul3A_257 = arith.muli %arg0, %mul3A_256 : i32
    %add3A_258 = vector.broadcast %mul3A_257 : i32 to vector<8x512xi32>
    %add3A_259 = arith.addi %iota3A_255, %add3A_258 : vector<8x512xi32>
    %mul3A_260 = arith.constant 16 : i32
    %mul3A_261 = vector.broadcast %mul3A_260 : i32 to vector<8x512xi32>
    %mul3A_262 = arith.muli %add3A_259, %mul3A_261 : vector<8x512xi32>
    %convert_element_type3A_263 = arith.fptosi %reduce_min3A_254 : vector<8x512xf32> to vector<8x512xi32>
    %add3A_264 = arith.addi %mul3A_262, %convert_element_type3A_263 : vector<8x512xi32>
    %swap3A = arith.constant 0 : index
    %swap3A_265 = arith.constant 0 : index
    %swap3A_266 = vector.load %arg4[%swap3A, %swap3A_265] : memref<8x512xi32, #tpu.memory_space<vmem>>, vector<8x512xi32>
    tpu.vector_store %arg4[%swap3A, %swap3A_265], %add3A_264 {strides = array<i32>} : memref<8x512xi32, #tpu.memory_space<vmem>>, vector<8x512xi32>,
    %get3A_267 = arith.constant 0 : index
    %get3A_268 = arith.constant 0 : index
    %get3A_269 = vector.load %arg2[%get3A_267, %get3A_268] : memref<8192x64xf32, #tpu.memory_space<vmem>>, vector<8192x64xf32>
    %get3A_270 = arith.constant 0 : index
    %get3A_271 = arith.constant 0 : index
    %get3A_272 = vector.load %arg3[%get3A_270, %get3A_271] : memref<8192x64xf32, #tpu.memory_space<vmem>>, vector<8192x64xf32>
    %concatenate3A = tpu.concatenate %get3A_269, %get3A_272 in 1 : vector<8192x64xf32>, vector<8192x64xf32> -> vector<8192x128xf32>
    %swap3A_273 = arith.constant 0 : index
    %swap3A_274 = arith.constant 0 : index
    %swap3A_275 = vector.load %arg5[%swap3A_273, %swap3A_274] : memref<8192x128xf32, #tpu.memory_space<vmem>>, vector<8192x128xf32>
    tpu.vector_store %arg5[%swap3A_273, %swap3A_274], %concatenate3A {strides = array<i32>} : memref<8192x128xf32, #tpu.memory_space<vmem>>, vector<8192x128xf32>,
    return
  }
  func.func @transform_0(%arg0: i32) -> (i32, i32) {
    %c0_i32 = arith.constant 0 : i32
    %c0_i32_0 = arith.constant 0 : i32
    return %c0_i32, %arg0 : i32, i32
  }
  func.func @transform_1(%arg0: i32) -> (i32, i32) {
    %c0_i32 = arith.constant 0 : i32
    %c0_i32_0 = arith.constant 0 : i32
    return %arg0, %c0_i32 : i32, i32
  }
  func.func @transform_2(%arg0: i32) -> (i32, i32) {
    %c0_i32 = arith.constant 0 : i32
    %c0_i32_0 = arith.constant 0 : i32
    return %arg0, %c0_i32 : i32, i32
  }
  func.func @transform_3(%arg0: i32) -> (i32, i32) {
    %c0_i32 = arith.constant 0 : i32
    %c0_i32_0 = arith.constant 0 : i32
    return %c0_i32, %arg0 : i32, i32
  }
  func.func @transform_4(%arg0: i32) -> (i32, i32) {
    %c0_i32 = arith.constant 0 : i32
    %c0_i32_0 = arith.constant 0 : i32
    return %arg0, %c0_i32 : i32, i32
  }
}

module attributes {stable_mosaic.version = 14 : i64} {
  func.func @_eps_body(%arg0: i32, %arg1: memref<8x256x128xf32, #tpu.memory_space<vmem>>) attributes {dimension_semantics = [#tpu.dimension_semantics<arbitrary>], iteration_bounds = array<i64: 8>, scalar_prefetch = 0 : i64, scratch_operands = 0 : i64, tpu.core_type = #tpu.core_type<tc>, window_params = [{transform_indices = @transform_0, window_bounds = array<i64: 8, 256, 128>}]} {
    %mul3A = arith.constant 32768 : i32
    %mul3A_0 = arith.muli %arg0, %mul3A : i32
    %iota3A = tpu.iota {dimensions = array<i32: 0>} : vector<8x256x128xi32>
    %iota3A_1 = tpu.iota {dimensions = array<i32: 1>} : vector<8x256x128xi32>
    %iota3A_2 = tpu.iota {dimensions = array<i32: 2>} : vector<8x256x128xi32>
    %mul3A_3 = arith.constant 262144 : i32
    %mul3A_4 = vector.broadcast %mul3A_3 : i32 to vector<8x256x128xi32>
    %mul3A_5 = arith.muli %iota3A, %mul3A_4 : vector<8x256x128xi32>
    %mul3A_6 = arith.constant 128 : i32
    %mul3A_7 = vector.broadcast %mul3A_6 : i32 to vector<8x256x128xi32>
    %mul3A_8 = arith.muli %iota3A_1, %mul3A_7 : vector<8x256x128xi32>
    %add3A = arith.addi %mul3A_5, %mul3A_8 : vector<8x256x128xi32>
    %add3A_9 = arith.addi %add3A, %iota3A_2 : vector<8x256x128xi32>
    %add3A_10 = vector.broadcast %mul3A_0 : i32 to vector<8x256x128xi32>
    %add3A_11 = arith.addi %add3A_9, %add3A_10 : vector<8x256x128xi32>
    %broadcast_in_dim3A = arith.constant 64467757 : i32
    %broadcast_in_dim3A_12 = vector.broadcast %broadcast_in_dim3A : i32 to vector<8x256x128xi32>
    %add3A_13 = arith.constant -1378843660 : i32
    %add3A_14 = vector.broadcast %add3A_13 : i32 to vector<8x256x128xi32>
    %add3A_15 = arith.addi %add3A_11, %add3A_14 : vector<8x256x128xi32>
    %add3A_16 = arith.addi %broadcast_in_dim3A_12, %add3A_15 : vector<8x256x128xi32>
    %shift_left3A = arith.constant 13 : i32
    %shift_left3A_17 = vector.broadcast %shift_left3A : i32 to vector<8x256x128xi32>
    %shift_left3A_18 = arith.shli %add3A_15, %shift_left3A_17 : vector<8x256x128xi32>
    %shift_right_logical3A = arith.constant 19 : i32
    %shift_right_logical3A_19 = vector.broadcast %shift_right_logical3A : i32 to vector<8x256x128xi32>
    %shift_right_logical3A_20 = arith.shrui %add3A_15, %shift_right_logical3A_19 : vector<8x256x128xi32>
    %or3A = arith.ori %shift_left3A_18, %shift_right_logical3A_20 : vector<8x256x128xi32>
    %xor3A = arith.xori %or3A, %add3A_16 : vector<8x256x128xi32>
    %add3A_21 = arith.addi %add3A_16, %xor3A : vector<8x256x128xi32>
    %shift_left3A_22 = arith.constant 15 : i32
    %shift_left3A_23 = vector.broadcast %shift_left3A_22 : i32 to vector<8x256x128xi32>
    %shift_left3A_24 = arith.shli %xor3A, %shift_left3A_23 : vector<8x256x128xi32>
    %shift_right_logical3A_25 = arith.constant 17 : i32
    %shift_right_logical3A_26 = vector.broadcast %shift_right_logical3A_25 : i32 to vector<8x256x128xi32>
    %shift_right_logical3A_27 = arith.shrui %xor3A, %shift_right_logical3A_26 : vector<8x256x128xi32>
    %or3A_28 = arith.ori %shift_left3A_24, %shift_right_logical3A_27 : vector<8x256x128xi32>
    %xor3A_29 = arith.xori %or3A_28, %add3A_21 : vector<8x256x128xi32>
    %add3A_30 = arith.addi %add3A_21, %xor3A_29 : vector<8x256x128xi32>
    %shift_left3A_31 = arith.constant 26 : i32
    %shift_left3A_32 = vector.broadcast %shift_left3A_31 : i32 to vector<8x256x128xi32>
    %shift_left3A_33 = arith.shli %xor3A_29, %shift_left3A_32 : vector<8x256x128xi32>
    %shift_right_logical3A_34 = arith.constant 6 : i32
    %shift_right_logical3A_35 = vector.broadcast %shift_right_logical3A_34 : i32 to vector<8x256x128xi32>
    %shift_right_logical3A_36 = arith.shrui %xor3A_29, %shift_right_logical3A_35 : vector<8x256x128xi32>
    %or3A_37 = arith.ori %shift_left3A_33, %shift_right_logical3A_36 : vector<8x256x128xi32>
    %xor3A_38 = arith.xori %or3A_37, %add3A_30 : vector<8x256x128xi32>
    %add3A_39 = arith.addi %add3A_30, %xor3A_38 : vector<8x256x128xi32>
    %shift_left3A_40 = arith.constant 6 : i32
    %shift_left3A_41 = vector.broadcast %shift_left3A_40 : i32 to vector<8x256x128xi32>
    %shift_left3A_42 = arith.shli %xor3A_38, %shift_left3A_41 : vector<8x256x128xi32>
    %shift_right_logical3A_43 = arith.constant 26 : i32
    %shift_right_logical3A_44 = vector.broadcast %shift_right_logical3A_43 : i32 to vector<8x256x128xi32>
    %shift_right_logical3A_45 = arith.shrui %xor3A_38, %shift_right_logical3A_44 : vector<8x256x128xi32>
    %or3A_46 = arith.ori %shift_left3A_42, %shift_right_logical3A_45 : vector<8x256x128xi32>
    %xor3A_47 = arith.xori %or3A_46, %add3A_39 : vector<8x256x128xi32>
    %add3A_48 = arith.constant -1378843660 : i32
    %add3A_49 = vector.broadcast %add3A_48 : i32 to vector<8x256x128xi32>
    %add3A_50 = arith.addi %add3A_39, %add3A_49 : vector<8x256x128xi32>
    %add3A_51 = arith.constant -1244255484 : i32
    %add3A_52 = vector.broadcast %add3A_51 : i32 to vector<8x256x128xi32>
    %add3A_53 = arith.addi %xor3A_47, %add3A_52 : vector<8x256x128xi32>
    %add3A_54 = arith.addi %add3A_50, %add3A_53 : vector<8x256x128xi32>
    %shift_left3A_55 = arith.constant 17 : i32
    %shift_left3A_56 = vector.broadcast %shift_left3A_55 : i32 to vector<8x256x128xi32>
    %shift_left3A_57 = arith.shli %add3A_53, %shift_left3A_56 : vector<8x256x128xi32>
    %shift_right_logical3A_58 = arith.constant 15 : i32
    %shift_right_logical3A_59 = vector.broadcast %shift_right_logical3A_58 : i32 to vector<8x256x128xi32>
    %shift_right_logical3A_60 = arith.shrui %add3A_53, %shift_right_logical3A_59 : vector<8x256x128xi32>
    %or3A_61 = arith.ori %shift_left3A_57, %shift_right_logical3A_60 : vector<8x256x128xi32>
    %xor3A_62 = arith.xori %or3A_61, %add3A_54 : vector<8x256x128xi32>
    %add3A_63 = arith.addi %add3A_54, %xor3A_62 : vector<8x256x128xi32>
    %shift_left3A_64 = arith.constant 29 : i32
    %shift_left3A_65 = vector.broadcast %shift_left3A_64 : i32 to vector<8x256x128xi32>
    %shift_left3A_66 = arith.shli %xor3A_62, %shift_left3A_65 : vector<8x256x128xi32>
    %shift_right_logical3A_67 = arith.constant 3 : i32
    %shift_right_logical3A_68 = vector.broadcast %shift_right_logical3A_67 : i32 to vector<8x256x128xi32>
    %shift_right_logical3A_69 = arith.shrui %xor3A_62, %shift_right_logical3A_68 : vector<8x256x128xi32>
    %or3A_70 = arith.ori %shift_left3A_66, %shift_right_logical3A_69 : vector<8x256x128xi32>
    %xor3A_71 = arith.xori %or3A_70, %add3A_63 : vector<8x256x128xi32>
    %add3A_72 = arith.addi %add3A_63, %xor3A_71 : vector<8x256x128xi32>
    %shift_left3A_73 = arith.constant 16 : i32
    %shift_left3A_74 = vector.broadcast %shift_left3A_73 : i32 to vector<8x256x128xi32>
    %shift_left3A_75 = arith.shli %xor3A_71, %shift_left3A_74 : vector<8x256x128xi32>
    %shift_right_logical3A_76 = arith.constant 16 : i32
    %shift_right_logical3A_77 = vector.broadcast %shift_right_logical3A_76 : i32 to vector<8x256x128xi32>
    %shift_right_logical3A_78 = arith.shrui %xor3A_71, %shift_right_logical3A_77 : vector<8x256x128xi32>
    %or3A_79 = arith.ori %shift_left3A_75, %shift_right_logical3A_78 : vector<8x256x128xi32>
    %xor3A_80 = arith.xori %or3A_79, %add3A_72 : vector<8x256x128xi32>
    %add3A_81 = arith.addi %add3A_72, %xor3A_80 : vector<8x256x128xi32>
    %shift_left3A_82 = arith.constant 24 : i32
    %shift_left3A_83 = vector.broadcast %shift_left3A_82 : i32 to vector<8x256x128xi32>
    %shift_left3A_84 = arith.shli %xor3A_80, %shift_left3A_83 : vector<8x256x128xi32>
    %shift_right_logical3A_85 = arith.constant 8 : i32
    %shift_right_logical3A_86 = vector.broadcast %shift_right_logical3A_85 : i32 to vector<8x256x128xi32>
    %shift_right_logical3A_87 = arith.shrui %xor3A_80, %shift_right_logical3A_86 : vector<8x256x128xi32>
    %or3A_88 = arith.ori %shift_left3A_84, %shift_right_logical3A_87 : vector<8x256x128xi32>
    %xor3A_89 = arith.xori %or3A_88, %add3A_81 : vector<8x256x128xi32>
    %add3A_90 = arith.constant -1244255485 : i32
    %add3A_91 = vector.broadcast %add3A_90 : i32 to vector<8x256x128xi32>
    %add3A_92 = arith.addi %add3A_81, %add3A_91 : vector<8x256x128xi32>
    %add3A_93 = arith.constant 64467759 : i32
    %add3A_94 = vector.broadcast %add3A_93 : i32 to vector<8x256x128xi32>
    %add3A_95 = arith.addi %xor3A_89, %add3A_94 : vector<8x256x128xi32>
    %add3A_96 = arith.addi %add3A_92, %add3A_95 : vector<8x256x128xi32>
    %shift_left3A_97 = arith.constant 13 : i32
    %shift_left3A_98 = vector.broadcast %shift_left3A_97 : i32 to vector<8x256x128xi32>
    %shift_left3A_99 = arith.shli %add3A_95, %shift_left3A_98 : vector<8x256x128xi32>
    %shift_right_logical3A_100 = arith.constant 19 : i32
    %shift_right_logical3A_101 = vector.broadcast %shift_right_logical3A_100 : i32 to vector<8x256x128xi32>
    %shift_right_logical3A_102 = arith.shrui %add3A_95, %shift_right_logical3A_101 : vector<8x256x128xi32>
    %or3A_103 = arith.ori %shift_left3A_99, %shift_right_logical3A_102 : vector<8x256x128xi32>
    %xor3A_104 = arith.xori %or3A_103, %add3A_96 : vector<8x256x128xi32>
    %add3A_105 = arith.addi %add3A_96, %xor3A_104 : vector<8x256x128xi32>
    %shift_left3A_106 = arith.constant 15 : i32
    %shift_left3A_107 = vector.broadcast %shift_left3A_106 : i32 to vector<8x256x128xi32>
    %shift_left3A_108 = arith.shli %xor3A_104, %shift_left3A_107 : vector<8x256x128xi32>
    %shift_right_logical3A_109 = arith.constant 17 : i32
    %shift_right_logical3A_110 = vector.broadcast %shift_right_logical3A_109 : i32 to vector<8x256x128xi32>
    %shift_right_logical3A_111 = arith.shrui %xor3A_104, %shift_right_logical3A_110 : vector<8x256x128xi32>
    %or3A_112 = arith.ori %shift_left3A_108, %shift_right_logical3A_111 : vector<8x256x128xi32>
    %xor3A_113 = arith.xori %or3A_112, %add3A_105 : vector<8x256x128xi32>
    %add3A_114 = arith.addi %add3A_105, %xor3A_113 : vector<8x256x128xi32>
    %shift_left3A_115 = arith.constant 26 : i32
    %shift_left3A_116 = vector.broadcast %shift_left3A_115 : i32 to vector<8x256x128xi32>
    %shift_left3A_117 = arith.shli %xor3A_113, %shift_left3A_116 : vector<8x256x128xi32>
    %shift_right_logical3A_118 = arith.constant 6 : i32
    %shift_right_logical3A_119 = vector.broadcast %shift_right_logical3A_118 : i32 to vector<8x256x128xi32>
    %shift_right_logical3A_120 = arith.shrui %xor3A_113, %shift_right_logical3A_119 : vector<8x256x128xi32>
    %or3A_121 = arith.ori %shift_left3A_117, %shift_right_logical3A_120 : vector<8x256x128xi32>
    %xor3A_122 = arith.xori %or3A_121, %add3A_114 : vector<8x256x128xi32>
    %add3A_123 = arith.addi %add3A_114, %xor3A_122 : vector<8x256x128xi32>
    %shift_left3A_124 = arith.constant 6 : i32
    %shift_left3A_125 = vector.broadcast %shift_left3A_124 : i32 to vector<8x256x128xi32>
    %shift_left3A_126 = arith.shli %xor3A_122, %shift_left3A_125 : vector<8x256x128xi32>
    %shift_right_logical3A_127 = arith.constant 26 : i32
    %shift_right_logical3A_128 = vector.broadcast %shift_right_logical3A_127 : i32 to vector<8x256x128xi32>
    %shift_right_logical3A_129 = arith.shrui %xor3A_122, %shift_right_logical3A_128 : vector<8x256x128xi32>
    %or3A_130 = arith.ori %shift_left3A_126, %shift_right_logical3A_129 : vector<8x256x128xi32>
    %xor3A_131 = arith.xori %or3A_130, %add3A_123 : vector<8x256x128xi32>
    %add3A_132 = arith.constant 64467757 : i32
    %add3A_133 = vector.broadcast %add3A_132 : i32 to vector<8x256x128xi32>
    %add3A_134 = arith.addi %add3A_123, %add3A_133 : vector<8x256x128xi32>
    %add3A_135 = arith.constant -1378843657 : i32
    %add3A_136 = vector.broadcast %add3A_135 : i32 to vector<8x256x128xi32>
    %add3A_137 = arith.addi %xor3A_131, %add3A_136 : vector<8x256x128xi32>
    %add3A_138 = arith.addi %add3A_134, %add3A_137 : vector<8x256x128xi32>
    %shift_left3A_139 = arith.constant 17 : i32
    %shift_left3A_140 = vector.broadcast %shift_left3A_139 : i32 to vector<8x256x128xi32>
    %shift_left3A_141 = arith.shli %add3A_137, %shift_left3A_140 : vector<8x256x128xi32>
    %shift_right_logical3A_142 = arith.constant 15 : i32
    %shift_right_logical3A_143 = vector.broadcast %shift_right_logical3A_142 : i32 to vector<8x256x128xi32>
    %shift_right_logical3A_144 = arith.shrui %add3A_137, %shift_right_logical3A_143 : vector<8x256x128xi32>
    %or3A_145 = arith.ori %shift_left3A_141, %shift_right_logical3A_144 : vector<8x256x128xi32>
    %xor3A_146 = arith.xori %or3A_145, %add3A_138 : vector<8x256x128xi32>
    %add3A_147 = arith.addi %add3A_138, %xor3A_146 : vector<8x256x128xi32>
    %shift_left3A_148 = arith.constant 29 : i32
    %shift_left3A_149 = vector.broadcast %shift_left3A_148 : i32 to vector<8x256x128xi32>
    %shift_left3A_150 = arith.shli %xor3A_146, %shift_left3A_149 : vector<8x256x128xi32>
    %shift_right_logical3A_151 = arith.constant 3 : i32
    %shift_right_logical3A_152 = vector.broadcast %shift_right_logical3A_151 : i32 to vector<8x256x128xi32>
    %shift_right_logical3A_153 = arith.shrui %xor3A_146, %shift_right_logical3A_152 : vector<8x256x128xi32>
    %or3A_154 = arith.ori %shift_left3A_150, %shift_right_logical3A_153 : vector<8x256x128xi32>
    %xor3A_155 = arith.xori %or3A_154, %add3A_147 : vector<8x256x128xi32>
    %add3A_156 = arith.addi %add3A_147, %xor3A_155 : vector<8x256x128xi32>
    %shift_left3A_157 = arith.constant 16 : i32
    %shift_left3A_158 = vector.broadcast %shift_left3A_157 : i32 to vector<8x256x128xi32>
    %shift_left3A_159 = arith.shli %xor3A_155, %shift_left3A_158 : vector<8x256x128xi32>
    %shift_right_logical3A_160 = arith.constant 16 : i32
    %shift_right_logical3A_161 = vector.broadcast %shift_right_logical3A_160 : i32 to vector<8x256x128xi32>
    %shift_right_logical3A_162 = arith.shrui %xor3A_155, %shift_right_logical3A_161 : vector<8x256x128xi32>
    %or3A_163 = arith.ori %shift_left3A_159, %shift_right_logical3A_162 : vector<8x256x128xi32>
    %xor3A_164 = arith.xori %or3A_163, %add3A_156 : vector<8x256x128xi32>
    %add3A_165 = arith.addi %add3A_156, %xor3A_164 : vector<8x256x128xi32>
    %shift_left3A_166 = arith.constant 24 : i32
    %shift_left3A_167 = vector.broadcast %shift_left3A_166 : i32 to vector<8x256x128xi32>
    %shift_left3A_168 = arith.shli %xor3A_164, %shift_left3A_167 : vector<8x256x128xi32>
    %shift_right_logical3A_169 = arith.constant 8 : i32
    %shift_right_logical3A_170 = vector.broadcast %shift_right_logical3A_169 : i32 to vector<8x256x128xi32>
    %shift_right_logical3A_171 = arith.shrui %xor3A_164, %shift_right_logical3A_170 : vector<8x256x128xi32>
    %or3A_172 = arith.ori %shift_left3A_168, %shift_right_logical3A_171 : vector<8x256x128xi32>
    %xor3A_173 = arith.xori %or3A_172, %add3A_165 : vector<8x256x128xi32>
    %add3A_174 = arith.constant -1378843660 : i32
    %add3A_175 = vector.broadcast %add3A_174 : i32 to vector<8x256x128xi32>
    %add3A_176 = arith.addi %add3A_165, %add3A_175 : vector<8x256x128xi32>
    %add3A_177 = arith.constant -1244255481 : i32
    %add3A_178 = vector.broadcast %add3A_177 : i32 to vector<8x256x128xi32>
    %add3A_179 = arith.addi %xor3A_173, %add3A_178 : vector<8x256x128xi32>
    %add3A_180 = arith.addi %add3A_176, %add3A_179 : vector<8x256x128xi32>
    %shift_left3A_181 = arith.constant 13 : i32
    %shift_left3A_182 = vector.broadcast %shift_left3A_181 : i32 to vector<8x256x128xi32>
    %shift_left3A_183 = arith.shli %add3A_179, %shift_left3A_182 : vector<8x256x128xi32>
    %shift_right_logical3A_184 = arith.constant 19 : i32
    %shift_right_logical3A_185 = vector.broadcast %shift_right_logical3A_184 : i32 to vector<8x256x128xi32>
    %shift_right_logical3A_186 = arith.shrui %add3A_179, %shift_right_logical3A_185 : vector<8x256x128xi32>
    %or3A_187 = arith.ori %shift_left3A_183, %shift_right_logical3A_186 : vector<8x256x128xi32>
    %xor3A_188 = arith.xori %or3A_187, %add3A_180 : vector<8x256x128xi32>
    %add3A_189 = arith.addi %add3A_180, %xor3A_188 : vector<8x256x128xi32>
    %shift_left3A_190 = arith.constant 15 : i32
    %shift_left3A_191 = vector.broadcast %shift_left3A_190 : i32 to vector<8x256x128xi32>
    %shift_left3A_192 = arith.shli %xor3A_188, %shift_left3A_191 : vector<8x256x128xi32>
    %shift_right_logical3A_193 = arith.constant 17 : i32
    %shift_right_logical3A_194 = vector.broadcast %shift_right_logical3A_193 : i32 to vector<8x256x128xi32>
    %shift_right_logical3A_195 = arith.shrui %xor3A_188, %shift_right_logical3A_194 : vector<8x256x128xi32>
    %or3A_196 = arith.ori %shift_left3A_192, %shift_right_logical3A_195 : vector<8x256x128xi32>
    %xor3A_197 = arith.xori %or3A_196, %add3A_189 : vector<8x256x128xi32>
    %add3A_198 = arith.addi %add3A_189, %xor3A_197 : vector<8x256x128xi32>
    %shift_left3A_199 = arith.constant 26 : i32
    %shift_left3A_200 = vector.broadcast %shift_left3A_199 : i32 to vector<8x256x128xi32>
    %shift_left3A_201 = arith.shli %xor3A_197, %shift_left3A_200 : vector<8x256x128xi32>
    %shift_right_logical3A_202 = arith.constant 6 : i32
    %shift_right_logical3A_203 = vector.broadcast %shift_right_logical3A_202 : i32 to vector<8x256x128xi32>
    %shift_right_logical3A_204 = arith.shrui %xor3A_197, %shift_right_logical3A_203 : vector<8x256x128xi32>
    %or3A_205 = arith.ori %shift_left3A_201, %shift_right_logical3A_204 : vector<8x256x128xi32>
    %xor3A_206 = arith.xori %or3A_205, %add3A_198 : vector<8x256x128xi32>
    %add3A_207 = arith.addi %add3A_198, %xor3A_206 : vector<8x256x128xi32>
    %shift_left3A_208 = arith.constant 6 : i32
    %shift_left3A_209 = vector.broadcast %shift_left3A_208 : i32 to vector<8x256x128xi32>
    %shift_left3A_210 = arith.shli %xor3A_206, %shift_left3A_209 : vector<8x256x128xi32>
    %shift_right_logical3A_211 = arith.constant 26 : i32
    %shift_right_logical3A_212 = vector.broadcast %shift_right_logical3A_211 : i32 to vector<8x256x128xi32>
    %shift_right_logical3A_213 = arith.shrui %xor3A_206, %shift_right_logical3A_212 : vector<8x256x128xi32>
    %or3A_214 = arith.ori %shift_left3A_210, %shift_right_logical3A_213 : vector<8x256x128xi32>
    %xor3A_215 = arith.xori %or3A_214, %add3A_207 : vector<8x256x128xi32>
    %add3A_216 = arith.constant -1244255485 : i32
    %add3A_217 = vector.broadcast %add3A_216 : i32 to vector<8x256x128xi32>
    %add3A_218 = arith.addi %add3A_207, %add3A_217 : vector<8x256x128xi32>
    %add3A_219 = arith.constant 64467762 : i32
    %add3A_220 = vector.broadcast %add3A_219 : i32 to vector<8x256x128xi32>
    %add3A_221 = arith.addi %xor3A_215, %add3A_220 : vector<8x256x128xi32>
    %xor3A_222 = arith.xori %add3A_218, %add3A_221 : vector<8x256x128xi32>
    %shift_right_logical3A_223 = arith.constant 9 : i32
    %shift_right_logical3A_224 = vector.broadcast %shift_right_logical3A_223 : i32 to vector<8x256x128xi32>
    %shift_right_logical3A_225 = arith.shrui %xor3A_222, %shift_right_logical3A_224 : vector<8x256x128xi32>
    %or3A_226 = arith.constant 1065353216 : i32
    %or3A_227 = vector.broadcast %or3A_226 : i32 to vector<8x256x128xi32>
    %or3A_228 = arith.ori %shift_right_logical3A_225, %or3A_227 : vector<8x256x128xi32>
    %bitcast_convert_type3A = tpu.bitcast %or3A_228 : vector<8x256x128xi32> -> vector<8x256x128xf32>
    %sub3A = arith.constant 1.000000e+00 : f32
    %sub3A_229 = vector.broadcast %sub3A : f32 to vector<8x256x128xf32>
    %sub3A_230 = arith.subf %bitcast_convert_type3A, %sub3A_229 : vector<8x256x128xf32>
    %mul3A_231 = arith.constant 2.000000e+00 : f32
    %mul3A_232 = vector.broadcast %mul3A_231 : f32 to vector<8x256x128xf32>
    %mul3A_233 = arith.mulf %sub3A_230, %mul3A_232 : vector<8x256x128xf32>
    %add3A_234 = arith.constant -0.99999994 : f32
    %add3A_235 = vector.broadcast %add3A_234 : f32 to vector<8x256x128xf32>
    %add3A_236 = arith.addf %mul3A_233, %add3A_235 : vector<8x256x128xf32>
    %max3A = arith.constant -0.99999994 : f32
    %max3A_237 = vector.broadcast %max3A : f32 to vector<8x256x128xf32>
    %max3A_238 = arith.maximumf %max3A_237, %add3A_236 : vector<8x256x128xf32>
    %neg3A = arith.constant 0.000000e+00 : f32
    %neg3A_239 = vector.broadcast %neg3A : f32 to vector<8x256x128xf32>
    %neg3A_240 = arith.subf %neg3A_239, %max3A_238 : vector<8x256x128xf32>
    %mul3A_241 = arith.mulf %neg3A_240, %max3A_238 : vector<8x256x128xf32>
    %log1p3A = math.log1p %mul3A_241 : vector<8x256x128xf32>
    %neg3A_242 = arith.constant 0.000000e+00 : f32
    %neg3A_243 = vector.broadcast %neg3A_242 : f32 to vector<8x256x128xf32>
    %neg3A_244 = arith.subf %neg3A_243, %log1p3A : vector<8x256x128xf32>
    %sub3A_245 = arith.constant 2.500000e+00 : f32
    %sub3A_246 = vector.broadcast %sub3A_245 : f32 to vector<8x256x128xf32>
    %sub3A_247 = arith.subf %neg3A_244, %sub3A_246 : vector<8x256x128xf32>
    %broadcast_in_dim3A_248 = arith.constant 1.83766955E-4 : f32
    %broadcast_in_dim3A_249 = vector.broadcast %broadcast_in_dim3A_248 : f32 to vector<8x256x128xf32>
    %mul3A_250 = arith.mulf %broadcast_in_dim3A_249, %sub3A_247 : vector<8x256x128xf32>
    %add3A_251 = arith.constant -0.00127639889 : f32
    %add3A_252 = vector.broadcast %add3A_251 : f32 to vector<8x256x128xf32>
    %add3A_253 = arith.addf %add3A_252, %mul3A_250 : vector<8x256x128xf32>
    %mul3A_254 = arith.mulf %add3A_253, %sub3A_247 : vector<8x256x128xf32>
    %add3A_255 = arith.constant -4.089760e-03 : f32
    %add3A_256 = vector.broadcast %add3A_255 : f32 to vector<8x256x128xf32>
    %add3A_257 = arith.addf %add3A_256, %mul3A_254 : vector<8x256x128xf32>
    %mul3A_258 = arith.mulf %add3A_257, %sub3A_247 : vector<8x256x128xf32>
    %add3A_259 = arith.constant 0.246678457 : f32
    %add3A_260 = vector.broadcast %add3A_259 : f32 to vector<8x256x128xf32>
    %add3A_261 = arith.addf %add3A_260, %mul3A_258 : vector<8x256x128xf32>
    %mul3A_262 = arith.mulf %add3A_261, %sub3A_247 : vector<8x256x128xf32>
    %add3A_263 = arith.constant 1.50137901 : f32
    %add3A_264 = vector.broadcast %add3A_263 : f32 to vector<8x256x128xf32>
    %add3A_265 = arith.addf %add3A_264, %mul3A_262 : vector<8x256x128xf32>
    %sqrt3A = math.sqrt %neg3A_244 : vector<8x256x128xf32>
    %sub3A_266 = arith.constant 3.000000e+00 : f32
    %sub3A_267 = vector.broadcast %sub3A_266 : f32 to vector<8x256x128xf32>
    %sub3A_268 = arith.subf %sqrt3A, %sub3A_267 : vector<8x256x128xf32>
    %broadcast_in_dim3A_269 = arith.constant -0.0155548751 : f32
    %broadcast_in_dim3A_270 = vector.broadcast %broadcast_in_dim3A_269 : f32 to vector<8x256x128xf32>
    %mul3A_271 = arith.mulf %broadcast_in_dim3A_270, %sub3A_268 : vector<8x256x128xf32>
    %add3A_272 = arith.constant 0.0106569398 : f32
    %add3A_273 = vector.broadcast %add3A_272 : f32 to vector<8x256x128xf32>
    %add3A_274 = arith.addf %add3A_273, %mul3A_271 : vector<8x256x128xf32>
    %mul3A_275 = arith.mulf %add3A_274, %sub3A_268 : vector<8x256x128xf32>
    %add3A_276 = arith.constant 1.00355875 : f32
    %add3A_277 = vector.broadcast %add3A_276 : f32 to vector<8x256x128xf32>
    %add3A_278 = arith.addf %add3A_277, %mul3A_275 : vector<8x256x128xf32>
    %mul3A_279 = arith.mulf %add3A_278, %sub3A_268 : vector<8x256x128xf32>
    %add3A_280 = arith.constant 2.83313107 : f32
    %add3A_281 = vector.broadcast %add3A_280 : f32 to vector<8x256x128xf32>
    %add3A_282 = arith.addf %add3A_281, %mul3A_279 : vector<8x256x128xf32>
    %lt3A = arith.constant 5.000000e+00 : f32
    %lt3A_283 = vector.broadcast %lt3A : f32 to vector<8x256x128xf32>
    %lt3A_284 = arith.cmpf olt, %neg3A_244, %lt3A_283 : vector<8x256x128xf32>
    %select_n3A = arith.select %lt3A_284, %add3A_265, %add3A_282 : vector<8x256x128xi1>, vector<8x256x128xf32>
    %mul3A_285 = arith.mulf %select_n3A, %max3A_238 : vector<8x256x128xf32>
    %mul3A_286 = arith.constant 1.41421354 : f32
    %mul3A_287 = vector.broadcast %mul3A_286 : f32 to vector<8x256x128xf32>
    %mul3A_288 = arith.mulf %mul3A_287, %mul3A_285 : vector<8x256x128xf32>
    %swap3A = arith.constant 0 : index
    %swap3A_289 = arith.constant 0 : index
    %swap3A_290 = arith.constant 0 : index
    %swap3A_291 = vector.load %arg1[%swap3A, %swap3A_289, %swap3A_290] : memref<8x256x128xf32, #tpu.memory_space<vmem>>, vector<8x256x128xf32>
    tpu.vector_store %arg1[%swap3A, %swap3A_289, %swap3A_290], %mul3A_288 {strides = array<i32>} : memref<8x256x128xf32, #tpu.memory_space<vmem>>, vector<8x256x128xf32>,
    return
  }
  func.func @transform_0(%arg0: i32) -> (i32, i32, i32) {
    %c0_i32 = arith.constant 0 : i32
    %c0_i32_0 = arith.constant 0 : i32
    %c0_i32_1 = arith.constant 0 : i32
    return %c0_i32, %arg0, %c0_i32_0 : i32, i32, i32
  }
}

module attributes {stable_mosaic.version = 14 : i64} {
  func.func @_final_body(%arg0: i32, %arg1: memref<8x256x256xf32, #tpu.memory_space<vmem>>, %arg2: memref<8x256x128xf32, #tpu.memory_space<vmem>>, %arg3: memref<8x256x128xf32, #tpu.memory_space<vmem>>) attributes {dimension_semantics = [#tpu.dimension_semantics<arbitrary>], iteration_bounds = array<i64: 8>, scalar_prefetch = 0 : i64, scratch_operands = 0 : i64, tpu.core_type = #tpu.core_type<tc>, window_params = [{transform_indices = @transform_0, window_bounds = array<i64: 8, 256, 256>}, {transform_indices = @transform_1, window_bounds = array<i64: 8, 256, 128>}, {transform_indices = @transform_2, window_bounds = array<i64: 8, 256, 128>}]} {
    %get3A = arith.constant 0 : index
    %get3A_0 = arith.constant 0 : index
    %get3A_1 = arith.constant 0 : index
    %get3A_2 = vector.load %arg1[%get3A, %get3A_0, %get3A_1] : memref<8x256x256xf32, #tpu.memory_space<vmem>>, vector<8x256x256xf32>
    %slice3A = vector.extract_strided_slice %get3A_2 {offsets = [0, 0, 0], sizes = [8, 256, 64], strides = [1, 1, 1]} : vector<8x256x256xf32> to vector<8x256x64xf32>
    %slice3A_3 = vector.extract_strided_slice %get3A_2 {offsets = [0, 0, 128], sizes = [8, 256, 64], strides = [1, 1, 1]} : vector<8x256x256xf32> to vector<8x256x64xf32>
    %concatenate3A = tpu.concatenate %slice3A, %slice3A_3 in 2 : vector<8x256x64xf32>, vector<8x256x64xf32> -> vector<8x256x128xf32>
    %slice3A_4 = vector.extract_strided_slice %get3A_2 {offsets = [0, 0, 64], sizes = [8, 256, 64], strides = [1, 1, 1]} : vector<8x256x256xf32> to vector<8x256x64xf32>
    %slice3A_5 = vector.extract_strided_slice %get3A_2 {offsets = [0, 0, 192], sizes = [8, 256, 64], strides = [1, 1, 1]} : vector<8x256x256xf32> to vector<8x256x64xf32>
    %concatenate3A_6 = tpu.concatenate %slice3A_4, %slice3A_5 in 2 : vector<8x256x64xf32>, vector<8x256x64xf32> -> vector<8x256x128xf32>
    %exp3A = math.exp %concatenate3A_6 : vector<8x256x128xf32>
    %add3A = arith.constant 9.99999996E-13 : f32
    %add3A_7 = vector.broadcast %add3A : f32 to vector<8x256x128xf32>
    %add3A_8 = arith.addf %add3A_7, %exp3A : vector<8x256x128xf32>
    %sqrt3A = math.sqrt %add3A_8 : vector<8x256x128xf32>
    %get3A_9 = arith.constant 0 : index
    %get3A_10 = arith.constant 0 : index
    %get3A_11 = arith.constant 0 : index
    %get3A_12 = vector.load %arg2[%get3A_9, %get3A_10, %get3A_11] : memref<8x256x128xf32, #tpu.memory_space<vmem>>, vector<8x256x128xf32>
    %mul3A = arith.mulf %sqrt3A, %get3A_12 : vector<8x256x128xf32>
    %add3A_13 = arith.addf %concatenate3A, %mul3A : vector<8x256x128xf32>
    %swap3A = arith.constant 0 : index
    %swap3A_14 = arith.constant 0 : index
    %swap3A_15 = arith.constant 0 : index
    %swap3A_16 = vector.load %arg3[%swap3A, %swap3A_14, %swap3A_15] : memref<8x256x128xf32, #tpu.memory_space<vmem>>, vector<8x256x128xf32>
    tpu.vector_store %arg3[%swap3A, %swap3A_14, %swap3A_15], %add3A_13 {strides = array<i32>} : memref<8x256x128xf32, #tpu.memory_space<vmem>>, vector<8x256x128xf32>,
    return
  }
  func.func @transform_0(%arg0: i32) -> (i32, i32, i32) {
    %c0_i32 = arith.constant 0 : i32
    %c0_i32_0 = arith.constant 0 : i32
    %c0_i32_1 = arith.constant 0 : i32
    return %c0_i32, %arg0, %c0_i32_0 : i32, i32, i32
  }
  func.func @transform_1(%arg0: i32) -> (i32, i32, i32) {
    %c0_i32 = arith.constant 0 : i32
    %c0_i32_0 = arith.constant 0 : i32
    %c0_i32_1 = arith.constant 0 : i32
    return %c0_i32, %arg0, %c0_i32_0 : i32, i32, i32
  }
  func.func @transform_2(%arg0: i32) -> (i32, i32, i32) {
    %c0_i32 = arith.constant 0 : i32
    %c0_i32_0 = arith.constant 0 : i32
    %c0_i32_1 = arith.constant 0 : i32
    return %c0_i32, %arg0, %c0_i32_0 : i32, i32, i32
  }
}

</mosaic_0001>

<sc_bundles>
// kernel: kernel.6.cloned.1.call-start
scs
__scs_entry_jumppad:
0x0: {  	(pc) =	sbr.rel $0x88, $3  }
0x1: {  	(tag) =	ssettag $0x0;
	lr =	simm.s32 $0x1  }
0x2: {  	[smem:$0x3F9E] =	sst lr;
	_ =	strace $0xD0000000  }
0x3: {  	_ = 	snop  }
0x4: {  	_ = 	snop  }
0x5: {  	_ = 	snop  }
0x6: {  	_ = 	snop  }
0x7: {  	_ = 	snop  }
__scs_overlays_trampoline_lowered:
0x8: {  	[smem:$0x3FAD] =	sst s0  }
0x9: {  	[smem:$0x3FAE] =	sst s1  }
0xa: {  	[smem:$0x3FAF] =	sst s2  }
0xb: {  	[smem:$0x3FB0] =	sst s3  }
0xc: {  	[smem:$0x3FB1] =	sst s4  }
0xd: {  	[smem:$0x3FB2] =	sst s5  }
0xe: {  	[smem:$0x3FB3] =	sst s6  }
0xf: {  	[smem:$0x3FB4] =	sst s7  }
0x10: {  	[smem:$0x3FB5] =	sst s8  }
0x11: {  	[smem:$0x3FB6] =	sst s9;
	s0 =	simm.s32 @!p0 $0x0  }
0x12: {  	s1 =	sld [smem:$0x3F9C];
	s0 =	simm.s32 @p0 $0x1  }
0x13: {  	[smem:$0x3FB7] =	sst s0;
	s0 =	simm.s32 @!p1 $0x0  }
0x14: {  	s2 =	sld [smem:$0x3F9B];
	s0 =	simm.s32 @p1 $0x1  }
0x15: {  	[smem:$0x3FB8] =	sst s0;
	s0 =	simm.s32 @!p2 $0x0  }
0x16: {  	s3 =	sld [smem:$0x3FDB];
	s0 =	simm.s32 @p2 $0x1  }
0x17: {  	s4 =	simm.s32 $0x1BF5;
	[smem:$0x3FBA] =	sst s0  }
0x18: {  	s0 =	sld [smem:$0x3F9D];
	_ =	swait.ge [sflag:s4], $0x0  }
0x19: {  	s7 =	sld [smem:$0x3F9E]  }
0x1a: {  	s8 =	sadd.s32 $0xFFFFE003, lr  }
0x1b: {  	s9 =	sadd.s32 $0xFFFFFEF7, lr;
	s5 =	simm.s32 $0xFFFFFFFF;
	p2 =	slt.u32 s8, $0xFFFFF086  }
0x1c: {  	p1 =	slt.u32 s9, $0xF7A;
	s5 =	simm.s32 @!p2 $0x0  }
0x1d: {  	s5 =	simm.s32 @p1 $0x1;
	p0 =	seq.s32 s7, s2  }
0x1e: {  	s7 =	smul.u32 @!p0 $0xF7A, s2;
	p2 =	seq.s32 @!p0 s5, $0x0  }
0x1f: {  	s9 =	smul.u32 $0xF7A, s1;
	s8 =	simm.s32 @!p0 $0x1BF5;
	p2 =	por !p2, p0  }
0x20: {  	[sflag:s8] =	ssyncset.s32 @!p0 $0xFFFFF086;
	s6 =	sadd.s32 @!p0 s3, s7;
	s7 =	simm.s32 @!p0 $0x108  }
0x21: {  	s3 =	sadd.s32 s3, s9;
	s6 =	sadd.s32 @!p0 $0x88, s6;
	s7 =	simm.s32 @p2 $0x1082  }
0x22: {  	[simem:s7], [sflag:s8] =	dma.local @!p0 [hbm:s6], $0xF7A  }
0x23: {  	s9 =	sor.u32 $0xD0000000, s2;
	s6 =	simm.s32 $0x108;
	_ =	swait.ge @!p0 [sflag:s8], $0x0  }
0x24: {  	s3 =	sadd.s32 $0x88, s3;
	s6 =	simm.s32 @!p1 $0x1082;
	[sflag:s4] =	ssyncset.s32 $0xFFFFF086  }
0x25: {  	[simem:s6], [sflag:s4] =	dma.local [hbm:s3], $0xF7A  }
0x26: {  	[smem:$0x3F9E] =	sst s1;
	(tag) =	ssettag s2;
	_ =	strace s9  }
0x27: {  	s1 =	sld [smem:$0x3FAE]  }
0x28: {  	s2 =	sld [smem:$0x3FAF]  }
0x29: {  	s4 =	sld [smem:$0x3FB1]  }
0x2a: {  	p0 =	seq.s32 s5, $0x0;
	s5 =	sld [smem:$0x3FB2]  }
0x2b: {  	s6 =	sld [smem:$0x3FB3]  }
0x2c: {  	s7 =	sld [smem:$0x3FB4]  }
0x2d: {  	s3 =	simm.s32 $0x108;
	s8 =	sld [smem:$0x3FB5]  }
0x2e: {  	s3 =	simm.s32 @!p0 $0x1082;
	s9 =	sld [smem:$0x3FB6]  }
0x2f: {  	lr =	sadd.s32 s0, s3;
	s0 =	sld [smem:$0x3FAD]  }
0x30: {  	s3 =	sld [smem:$0x3FB0]  }
0x31: {  	[smem:$0x3FB9] =	sst s10  }
0x32: {  	s10 =	sld [smem:$0x3FB7];
	_ =	sdelay $0x3  }
0x33: {  	p0 =	seq.s32 s10, $0x1;
	s10 =	sld [smem:$0x3FB9];
	_ =	sdelay $0x3  }
0x34: {  	[smem:$0x3FB9] =	sst s10  }
0x35: {  	s10 =	sld [smem:$0x3FB8];
	_ =	sdelay $0x3  }
0x36: {  	p1 =	seq.s32 s10, $0x1;
	s10 =	sld [smem:$0x3FB9];
	_ =	sdelay $0x3  }
0x37: {  	[smem:$0x3FB9] =	sst s10  }
0x38: {  	s10 =	sld [smem:$0x3FBA]  }
0x39: {  	_ = 	snop;
	(pc) =	sbr.ind lr, $3  }
0x3a: {  	_ = 	snop  }
0x3b: {  	_ = 	snop  }
0x3c: {  	p2 =	seq.s32 s10, $0x1;
	s10 =	sld [smem:$0x3FB9]  }
0x3d: {  	_ =	shalt  }
0x3e: {  	_ =	shalt  }
0x3f: {  	_ =	shalt  }
0x40: {  	_ =	shalt  }
0x41: {  	_ =	shalt  }
0x42: {  	_ =	shalt  }
0x43: {  	_ =	shalt  }
0x44: {  	_ =	shalt  }
0x45: {  	_ =	shalt  }
0x46: {  	_ =	shalt  }
0x47: {  	_ =	shalt  }
0x48: {  	_ =	shalt  }
0x49: {  	_ =	shalt  }
0x4a: {  	_ =	shalt  }
0x4b: {  	_ =	shalt  }
0x4c: {  	_ =	shalt  }
0x4d: {  	_ =	shalt  }
0x4e: {  	_ =	shalt  }
0x4f: {  	_ =	shalt  }
0x50: {  	_ =	shalt  }
0x51: {  	_ =	shalt  }
0x52: {  	_ =	shalt  }
0x53: {  	_ =	shalt  }
0x54: {  	_ =	shalt  }
0x55: {  	_ =	shalt  }
0x56: {  	_ =	shalt  }
0x57: {  	_ =	shalt  }
0x58: {  	_ =	shalt  }
0x59: {  	_ =	shalt  }
0x5a: {  	_ =	shalt  }
0x5b: {  	_ =	shalt  }
0x5c: {  	_ =	shalt  }
0x5d: {  	_ =	shalt  }
0x5e: {  	_ =	shalt  }
0x5f: {  	_ =	shalt  }
0x60: {  	_ =	shalt  }
0x61: {  	_ =	shalt  }
0x62: {  	_ =	shalt  }
0x63: {  	_ =	shalt  }
0x64: {  	_ =	shalt  }
0x65: {  	_ =	shalt  }
0x66: {  	_ =	shalt  }
0x67: {  	_ =	shalt  }
0x68: {  	_ =	shalt  }
0x69: {  	_ =	shalt  }
0x6a: {  	_ =	shalt  }
0x6b: {  	_ =	shalt  }
0x6c: {  	_ =	shalt  }
0x6d: {  	_ =	shalt  }
0x6e: {  	_ =	shalt  }
0x6f: {  	_ =	shalt  }
0x70: {  	_ =	shalt  }
0x71: {  	_ =	shalt  }
0x72: {  	_ =	shalt  }
0x73: {  	_ =	shalt  }
0x74: {  	_ =	shalt  }
0x75: {  	_ =	shalt  }
0x76: {  	_ =	shalt  }
0x77: {  	_ =	shalt  }
0x78: {  	_ =	shalt  }
0x79: {  	_ =	shalt  }
0x7a: {  	_ =	shalt  }
0x7b: {  	_ =	shalt  }
0x7c: {  	_ =	shalt  }
0x7d: {  	_ =	shalt  }
0x7e: {  	_ =	shalt  }
0x7f: {  	_ =	shalt  }
0x80: {  	_ =	shalt  }
0x81: {  	_ =	shalt  }
0x82: {  	_ =	shalt  }
0x83: {  	_ =	shalt  }
0x84: {  	_ =	shalt  }
0x85: {  	_ =	shalt  }
0x86: {  	_ =	shalt  }
0x87: {  	_ =	shalt  }
.Lfunc_end0:
.L_simem_size_0:
called_computation_lowered:
.L_overlay_start_0:
0x88: {  	s2 =	sld [smem:$0x3FD9]  }
0x89: {  	s3 =	sld [smem:$0x3FFE];
	_ =	sdelay $0x1  }
0x8a: {  	s1 =	srdreg.scid  }
0x8b: {  	s0 =	sand.u32 $0x1, s1  }
0x8c: {  	s17 =	sshll.u32 s0, $0xA;
	s2 =	sadd.s32 s3, s2  }
0x8d: {  	s2 =	sadd.s32 s2, s17  }
0x8e: {  	[smem:$0x3FC5] =	sst s2  }
0x8f: {  	_ = 	snop  }
0x90: {  	s2 =	sld [smem:$0x3FD0];
	(tm) =	ssettm $0x1  }
0x91: {  	s18 =	sld [smem:$0x3FFB];
	_ =	sdelay $0x3  }
0x92: {  	_ =	strace s18  }
0x93: {  	s3 =	sld [smem:$0x3FFC];
	_ =	sdelay $0x3  }
0x94: {  	_ =	strace s3  }
0x95: {  	s3 =	sld [smem:$0x3FFD];
	_ =	sdelay $0x3  }
0x96: {  	_ =	strace s3  }
0x97: {  	_ =	strace $0x8FFFFFFF  }
0x98: {  	s19 =	sld [smem:$0x3FDB];
	_ =	sdelay $0x1  }
0x99: {  	s4 =	simm.s32 $_scs_section_size  }
0x9a: {  	s5 =	simm.s32 $_size__tile_overlayer_lowered;
	s6 =	simm.s32 $_tile_overlayer_lowered  }
0x9b: {  	s22 =	simm.s32 $0x1BFF;
	s21 =	sshll.u32 s6, $0x1;
	s3 =	sadd.s32 s4, s19  }
0x9c: {  	s7 =	simm.s32 $0x0;
	s20 =	sshll.u32 s5, $0x1;
	s5 =	sadd.s32 s21, s3  }
0x9d: {  	[timem:s7], [sflag:s22] =	dma.local [hbm:s5], s20  }
0x9e: {  	_ =	swait.ge [sflag:s22], s20  }
0x9f: {  	s4 =	ssub.s32 $0x0, s20;
	[sflag:s22] =	ssyncset.done $0x0  }
0xa0: {  	[sflag:s22] =	ssyncadd.s32 s4;
	_ =	sdelay $0x1  }
0xa1: {  	s23 =	simm.s32 $0x1B8B  }
0xa2: {  	_ =	swait.ge [sflag:s23], $0x1  }
0xa3: {  	[sflag:s23] =	ssyncset.done $0x0  }
0xa4: {  	s25 =	simm.s32 $0x1B8E;
	s24 =	sld [smem:$0x3FFE];
	[sflag:s23] =	ssyncadd.s32 $0xFFFFFFFF  }
0xa5: {  	s26 =	simm.s32 $execute0_lowered;
	[smem:$0x3FD2] =	sst s25  }
0xa6: {  	s5 =	sshll.u32 s26, $0x1;
	_ =	strace $0x80000046;
	[dreg:$0x1] =	wrdreg $0xFFFFFFFF  }
0xa7: {  	s28 =	simm.s32 $_size_execute0_lowered;
	s3 =	sadd.s32 s3, s5;
	[dreg:$0x0] =	wrdreg $0x0  }
0xa8: {  	s5 =	sshll.u32 s28, $0x1;
	[dreg:$0x2] =	wrdreg s3  }
0xa9: {  	[dreg:$0x3] =	wrdreg s5  }
0xaa: {  	[dreg:$0x4] =	wrdreg $0xC0  }
0xab: {  	_ =	task [dreg:s7], $0x5FFFF  }
0xac: {  	[dreg:$0x1] =	wrdreg $0xFFFFFFFF  }
0xad: {  	[dreg:$0x0] =	wrdreg $0x60  }
0xae: {  	[dreg:$0x2] =	wrdreg s24  }
0xaf: {  	[dreg:$0x3] =	wrdreg s2  }
0xb0: {  	[dreg:$0x4] =	wrdreg $0x9  }
0xb1: {  	_ =	task.clear_ibuf [dreg:s7], $0x5FFFF;
	_ =	strace $0x90000046  }
0xb2: {  	s29 =	simm.s32 $0x9;
	_ =	strace $0x80000048  }
0xb3: {  	_ =	swait.ge [sflag:s29], $0x1  }
0xb4: {  	[sflag:s29] =	ssyncadd.s32 $0xFFFFFFFF  }
0xb5: {  	_ =	strace $0x90000048  }
0xb6: {  	_ =	sfence  }
0xb7: {  	s30 =	sld [smem:$0x0];
	_ =	sdelay $0x2  }
0xb8: {  	s31 =	sshll.u32 s1, $0xD;
	s1 =	sshrl.u32 s1, $0x2  }
0xb9: {  	s3 =	sand.u32 $0x4000, s31;
	s1 =	sadd.s32 s1, s30  }
0xba: {  	s0 =	sor.u32 s3, s0;
	s1 =	sshll.u32 s1, $0x11  }
0xbb: {  	s0 =	sor.u32 s1, s0  }
0xbc: {  	s0 =	sadd.s32 $0x8F2B, s0  }
0xbd: {  	[sflag:s0] =	ssyncadd.remote.s32 $0x1  }
0xbe: {  	_ =	sfence.sel $0xFFFF  }
0xbf: {  	[dreg:$0x0] =	wrdreg $0xFFFFFFFF;
	(pc) =	sbr.abs _section_cstart, $3  }
0xc0: {  	[dreg:$0x1] =	wrdreg $0xFFFFFFFF  }
0xc1: {  	_ =	task.clear_ibuf [dreg:s7], $0x2FFFF;
	_ =	strace $0x9FFFFFFF  }
0xc2: {  	(tm) =	ssettm $0x7FFFFFFF  }
0xc3: {  	_ =	shalt  }
tec
execute0_lowered:
.L_overlay_start_1:
0x0: {  	(tag) =	ssettag $0x1  }
0x1: {  	s10 =	rddreg [dreg:$0x0]  }
0x2: {  	s1 =	srdreg.scid;
	s0 =	stileid.u32  }
0x3: {  	s3 =	rddreg [dreg:$0x1];
	s24 =	sand.u32 $0x1, s1;
	s4 =	sshll.u32 s0, $0x1  }
0x4: {  	s2 =	simm.s32 $0x0;
	s1 =	rddreg [dreg:$0x2];
	s11 =	sor.u32 s24, s4  }
0x5: {  	[smem:$0x7FF] =	sst s2;
	s4 =	sshll.u32 s11, $0x7  }
0x6: {  	_ =	strace $0x80000047;
	s4 =	sadd.s32 s3, s4;
	s3 =	simm.s32 $0x3  }
0x7: {  	[tilespmem:s2], [sflag:$0x3] =	stream.linear.gather [hbm4b:s4+s2], $0x400, $0x38;
	[tilespmem:$0x8400] =	vst v63  }
0x8: {  	_ =	swait.ge [sflag:s3], $0x400  }
0x9: {  	s6 =	simm.s32 $0x80;
	[sflag:s3] =	ssyncset.done $0x0  }
0xa: {  	s7 =	simm.s32 $0x400;
	s5 =	sadd.s32 $0x200A00, s10;
	[sflag:s3] =	ssyncadd.s32 $0xFFFFFC00  }
0xb: {  	[tilespmem:s7], [sflag:$0x1] =	stream.indirect.gather [hbm4b:s5+s6], $0x80, s2, s6, $0xb8;
	[tilespmem:$0x8400] =	vst v63  }
0xc: {  	s8 =	simm.s32 $0x4400;
	s9 =	simm.s32 $0x1  }
0xd: {  	[tilespmem:s8], [sflag:$0x2] =	stream.indirect.gather [hbm4b:s5+s6], $0x80, s6, s6, $0xb8;
	[tilespmem:$0x8400] =	vst v63  }
0xe: {  	s11 =	sshll.u32 s11, $0xE;
	_ =	swait.ge [sflag:s9], $0x4000  }
0xf: {  	s25 =	sadd.s32 s11, s10;
	[sflag:s9] =	ssyncset.done $0x0  }
0x10: {  	s10 =	sadd.s32 $0xA00, s25;
	[sflag:s9] =	ssyncadd.s32 $0xFFFFC000  }
0x11: {  	[hbm4b:s10+s2] =	stream.linear.scatter [tilespmem:s7], [sflag:$0x3], $0x4000, $0x38;
	[tilespmem:$0x8400] =	vst v63  }
0x12: {  	_ =	swait.ge [sflag:s3], $0x4000  }
0x13: {  	[sflag:s3] =	ssyncset.done $0x0  }
0x14: {  	s12 =	simm.s32 $0x2;
	s11 =	simm.s32 $0x100;
	[sflag:s3] =	ssyncadd.s32 $0xFFFFC000  }
0x15: {  	[tilespmem:s7], [sflag:$0x1] =	stream.indirect.gather [hbm4b:s5+s6], $0x80, s11, s6, $0xb8;
	[tilespmem:$0x8400] =	vst v63  }
0x16: {  	_ =	swait.ge [sflag:s12], $0x4000  }
0x17: {  	[sflag:s12] =	ssyncset.done $0x0  }
0x18: {  	s13 =	sadd.s32 $0x1200, s25;
	[sflag:s12] =	ssyncadd.s32 $0xFFFFC000  }
0x19: {  	[hbm4b:s13+s2] =	stream.linear.scatter [tilespmem:s8], [sflag:$0x3], $0x4000, $0x38;
	[tilespmem:$0x8400] =	vst v63  }
0x1a: {  	_ =	swait.ge [sflag:s3], $0x4000  }
0x1b: {  	[sflag:s3] =	ssyncset.done $0x0  }
0x1c: {  	s14 =	simm.s32 $0x180;
	[sflag:s3] =	ssyncadd.s32 $0xFFFFC000  }
0x1d: {  	[tilespmem:s8], [sflag:$0x2] =	stream.indirect.gather [hbm4b:s5+s6], $0x80, s14, s6, $0xb8;
	[tilespmem:$0x8400] =	vst v63  }
0x1e: {  	_ =	swait.ge [sflag:s9], $0x4000  }
0x1f: {  	[sflag:s9] =	ssyncset.done $0x0  }
0x20: {  	s15 =	sadd.s32 $0x1A00, s25;
	[sflag:s9] =	ssyncadd.s32 $0xFFFFC000  }
0x21: {  	[hbm4b:s15+s2] =	stream.linear.scatter [tilespmem:s7], [sflag:$0x3], $0x4000, $0x38;
	[tilespmem:$0x8400] =	vst v63  }
0x22: {  	_ =	swait.ge [sflag:s3], $0x4000  }
0x23: {  	[sflag:s3] =	ssyncset.done $0x0  }
0x24: {  	s16 =	simm.s32 $0x200;
	[sflag:s3] =	ssyncadd.s32 $0xFFFFC000  }
0x25: {  	[tilespmem:s7], [sflag:$0x1] =	stream.indirect.gather [hbm4b:s5+s6], $0x80, s16, s6, $0xb8;
	[tilespmem:$0x8400] =	vst v63  }
0x26: {  	_ =	swait.ge [sflag:s12], $0x4000  }
0x27: {  	[sflag:s12] =	ssyncset.done $0x0  }
0x28: {  	s17 =	sadd.s32 $0x2200, s25;
	[sflag:s12] =	ssyncadd.s32 $0xFFFFC000  }
0x29: {  	[hbm4b:s17+s2] =	stream.linear.scatter [tilespmem:s8], [sflag:$0x3], $0x4000, $0x38;
	[tilespmem:$0x8400] =	vst v63  }
0x2a: {  	_ =	swait.ge [sflag:s3], $0x4000  }
0x2b: {  	[sflag:s3] =	ssyncset.done $0x0  }
0x2c: {  	s18 =	simm.s32 $0x280;
	[sflag:s3] =	ssyncadd.s32 $0xFFFFC000  }
0x2d: {  	[tilespmem:s8], [sflag:$0x2] =	stream.indirect.gather [hbm4b:s5+s6], $0x80, s18, s6, $0xb8;
	[tilespmem:$0x8400] =	vst v63  }
0x2e: {  	_ =	swait.ge [sflag:s9], $0x4000  }
0x2f: {  	[sflag:s9] =	ssyncset.done $0x0  }
0x30: {  	s19 =	sadd.s32 $0x2A00, s25;
	[sflag:s9] =	ssyncadd.s32 $0xFFFFC000  }
0x31: {  	[hbm4b:s19+s2] =	stream.linear.scatter [tilespmem:s7], [sflag:$0x3], $0x4000, $0x38;
	[tilespmem:$0x8400] =	vst v63  }
0x32: {  	_ =	swait.ge [sflag:s3], $0x4000  }
0x33: {  	[sflag:s3] =	ssyncset.done $0x0  }
0x34: {  	s20 =	simm.s32 $0x300;
	[sflag:s3] =	ssyncadd.s32 $0xFFFFC000  }
0x35: {  	[tilespmem:s7], [sflag:$0x1] =	stream.indirect.gather [hbm4b:s5+s6], $0x80, s20, s6, $0xb8;
	[tilespmem:$0x8400] =	vst v63  }
0x36: {  	_ =	swait.ge [sflag:s12], $0x4000  }
0x37: {  	[sflag:s12] =	ssyncset.done $0x0  }
0x38: {  	s21 =	sadd.s32 $0x3200, s25;
	[sflag:s12] =	ssyncadd.s32 $0xFFFFC000  }
0x39: {  	[hbm4b:s21+s2] =	stream.linear.scatter [tilespmem:s8], [sflag:$0x3], $0x4000, $0x38;
	[tilespmem:$0x8400] =	vst v63  }
0x3a: {  	_ =	swait.ge [sflag:s3], $0x4000  }
0x3b: {  	[sflag:s3] =	ssyncset.done $0x0  }
0x3c: {  	s22 =	simm.s32 $0x380;
	[sflag:s3] =	ssyncadd.s32 $0xFFFFC000  }
0x3d: {  	[tilespmem:s8], [sflag:$0x2] =	stream.indirect.gather [hbm4b:s5+s6], $0x80, s22, s6, $0xb8;
	[tilespmem:$0x8400] =	vst v63  }
0x3e: {  	_ =	swait.ge [sflag:s9], $0x4000  }
0x3f: {  	[sflag:s9] =	ssyncset.done $0x0  }
0x40: {  	s24 =	ssub.s32 $0x2, s24;
	s23 =	sadd.s32 $0x3A00, s25;
	[sflag:s9] =	ssyncadd.s32 $0xFFFFC000  }
0x41: {  	[hbm4b:s23+s2] =	stream.linear.scatter [tilespmem:s7], [sflag:$0x3], $0x4000, $0x38;
	[tilespmem:$0x8400] =	vst v63  }
0x42: {  	s26 =	sshrl.u32 s24, $0x1;
	_ =	swait.ge [sflag:s3], $0x4000  }
0x43: {  	s26 =	ssub.s32 s24, s26;
	[sflag:s3] =	ssyncset.done $0x0  }
0x44: {  	s31 =	smax.u32 s26, $0x1;
	[sflag:s3] =	ssyncadd.s32 $0xFFFFC000  }
0x45: {  	p0 =	sne.s32 s31, $0x1;
	_ =	swait.ge [sflag:s12], $0x4000  }
.Ltmp0:
0x46: {  	[sflag:s12] =	ssyncset.done $0x0;
	(pc) =	sbr.rel @!p0 .LBB2_2-.Ltmp0, $4  }
0x47: {  	s24 =	sadd.s32 $0x4200, s25;
	[sflag:s12] =	ssyncadd.s32 $0xFFFFC000  }
0x48: {  	[hbm4b:s24+s2] =	stream.linear.scatter [tilespmem:s8], [sflag:$0x3], $0x4000, $0x38;
	[tilespmem:$0x8400] =	vst v63  }
0x49: {  	_ =	swait.ge [sflag:s3], $0x4000  }
0x4a: {  	s25 =	sadd.s32 $0xFFFFFFFF, s31;
	[sflag:s3] =	ssyncset.done $0x0  }
.LBB2_1:
0x4b: {  	p0 =	sne.s32 s25, $0x1;
	s25 =	sadd.s32 $0xFFFFFFFF, s25;
	[sflag:s3] =	ssyncadd.s32 $0xFFFFC000  }
0x4c: {  	[tilespmem:s2], [sflag:$0x3] =	stream.linear.gather [hbm4b:s4+s2], $0x400, $0x38;
	[tilespmem:$0x8400] =	vst v63  }
0x4d: {  	_ =	swait.ge [sflag:s3], $0x400  }
0x4e: {  	[sflag:s3] =	ssyncset.done $0x0  }
0x4f: {  	[sflag:s3] =	ssyncadd.s32 $0xFFFFFC00  }
0x50: {  	[tilespmem:s7], [sflag:$0x1] =	stream.indirect.gather [hbm4b:s5+s6], $0x80, s2, s6, $0xb8;
	[tilespmem:$0x8400] =	vst v63  }
0x51: {  	_ = 	snop  }
0x52: {  	[tilespmem:s8], [sflag:$0x2] =	stream.indirect.gather [hbm4b:s5+s6], $0x80, s6, s6, $0xb8;
	[tilespmem:$0x8400] =	vst v63  }
0x53: {  	_ =	swait.ge [sflag:s9], $0x4000  }
0x54: {  	[sflag:s9] =	ssyncset.done $0x0  }
0x55: {  	[sflag:s9] =	ssyncadd.s32 $0xFFFFC000  }
0x56: {  	[hbm4b:s10+s2] =	stream.linear.scatter [tilespmem:s7], [sflag:$0x3], $0x4000, $0x38;
	[tilespmem:$0x8400] =	vst v63  }
0x57: {  	_ =	swait.ge [sflag:s3], $0x4000  }
0x58: {  	[sflag:s3] =	ssyncset.done $0x0  }
0x59: {  	[sflag:s3] =	ssyncadd.s32 $0xFFFFC000  }
0x5a: {  	[tilespmem:s7], [sflag:$0x1] =	stream.indirect.gather [hbm4b:s5+s6], $0x80, s11, s6, $0xb8;
	[tilespmem:$0x8400] =	vst v63  }
0x5b: {  	_ =	swait.ge [sflag:s12], $0x4000  }
0x5c: {  	[sflag:s12] =	ssyncset.done $0x0  }
0x5d: {  	[sflag:s12] =	ssyncadd.s32 $0xFFFFC000  }
0x5e: {  	[hbm4b:s13+s2] =	stream.linear.scatter [tilespmem:s8], [sflag:$0x3], $0x4000, $0x38;
	[tilespmem:$0x8400] =	vst v63  }
0x5f: {  	_ =	swait.ge [sflag:s3], $0x4000  }
0x60: {  	[sflag:s3] =	ssyncset.done $0x0  }
0x61: {  	[sflag:s3] =	ssyncadd.s32 $0xFFFFC000  }
0x62: {  	[tilespmem:s8], [sflag:$0x2] =	stream.indirect.gather [hbm4b:s5+s6], $0x80, s14, s6, $0xb8;
	[tilespmem:$0x8400] =	vst v63  }
0x63: {  	_ =	swait.ge [sflag:s9], $0x4000  }
0x64: {  	[sflag:s9] =	ssyncset.done $0x0  }
0x65: {  	[sflag:s9] =	ssyncadd.s32 $0xFFFFC000  }
0x66: {  	[hbm4b:s15+s2] =	stream.linear.scatter [tilespmem:s7], [sflag:$0x3], $0x4000, $0x38;
	[tilespmem:$0x8400] =	vst v63  }
0x67: {  	_ =	swait.ge [sflag:s3], $0x4000  }
0x68: {  	[sflag:s3] =	ssyncset.done $0x0  }
0x69: {  	[sflag:s3] =	ssyncadd.s32 $0xFFFFC000  }
0x6a: {  	[tilespmem:s7], [sflag:$0x1] =	stream.indirect.gather [hbm4b:s5+s6], $0x80, s16, s6, $0xb8;
	[tilespmem:$0x8400] =	vst v63  }
0x6b: {  	_ =	swait.ge [sflag:s12], $0x4000  }
0x6c: {  	[sflag:s12] =	ssyncset.done $0x0  }
0x6d: {  	[sflag:s12] =	ssyncadd.s32 $0xFFFFC000  }
0x6e: {  	[hbm4b:s17+s2] =	stream.linear.scatter [tilespmem:s8], [sflag:$0x3], $0x4000, $0x38;
	[tilespmem:$0x8400] =	vst v63  }
0x6f: {  	_ =	swait.ge [sflag:s3], $0x4000  }
0x70: {  	[sflag:s3] =	ssyncset.done $0x0  }
0x71: {  	[sflag:s3] =	ssyncadd.s32 $0xFFFFC000  }
0x72: {  	[tilespmem:s8], [sflag:$0x2] =	stream.indirect.gather [hbm4b:s5+s6], $0x80, s18, s6, $0xb8;
	[tilespmem:$0x8400] =	vst v63  }
0x73: {  	_ =	swait.ge [sflag:s9], $0x4000  }
0x74: {  	[sflag:s9] =	ssyncset.done $0x0  }
0x75: {  	[sflag:s9] =	ssyncadd.s32 $0xFFFFC000  }
0x76: {  	[hbm4b:s19+s2] =	stream.linear.scatter [tilespmem:s7], [sflag:$0x3], $0x4000, $0x38;
	[tilespmem:$0x8400] =	vst v63  }
0x77: {  	_ =	swait.ge [sflag:s3], $0x4000  }
0x78: {  	[sflag:s3] =	ssyncset.done $0x0  }
0x79: {  	[sflag:s3] =	ssyncadd.s32 $0xFFFFC000  }
0x7a: {  	[tilespmem:s7], [sflag:$0x1] =	stream.indirect.gather [hbm4b:s5+s6], $0x80, s20, s6, $0xb8;
	[tilespmem:$0x8400] =	vst v63  }
0x7b: {  	_ =	swait.ge [sflag:s12], $0x4000  }
0x7c: {  	[sflag:s12] =	ssyncset.done $0x0  }
0x7d: {  	[sflag:s12] =	ssyncadd.s32 $0xFFFFC000  }
0x7e: {  	[hbm4b:s21+s2] =	stream.linear.scatter [tilespmem:s8], [sflag:$0x3], $0x4000, $0x38;
	[tilespmem:$0x8400] =	vst v63  }
0x7f: {  	_ =	swait.ge [sflag:s3], $0x4000  }
0x80: {  	[sflag:s3] =	ssyncset.done $0x0  }
0x81: {  	[sflag:s3] =	ssyncadd.s32 $0xFFFFC000  }
0x82: {  	[tilespmem:s8], [sflag:$0x2] =	stream.indirect.gather [hbm4b:s5+s6], $0x80, s22, s6, $0xb8;
	[tilespmem:$0x8400] =	vst v63  }
0x83: {  	_ =	swait.ge [sflag:s9], $0x4000  }
0x84: {  	[sflag:s9] =	ssyncset.done $0x0  }
0x85: {  	[sflag:s9] =	ssyncadd.s32 $0xFFFFC000  }
0x86: {  	[hbm4b:s23+s2] =	stream.linear.scatter [tilespmem:s7], [sflag:$0x3], $0x4000, $0x38;
	[tilespmem:$0x8400] =	vst v63  }
0x87: {  	_ =	swait.ge [sflag:s3], $0x4000  }
0x88: {  	[sflag:s3] =	ssyncset.done $0x0  }
0x89: {  	[sflag:s3] =	ssyncadd.s32 $0xFFFFC000  }
0x8a: {  	_ =	swait.ge [sflag:s12], $0x4000  }
.Ltmp1:
0x8b: {  	[sflag:s12] =	ssyncset.done $0x0;
	(pc) =	sbr.rel @p0 .LBB2_1-.Ltmp1, $4  }
0x8c: {  	[sflag:s12] =	ssyncadd.s32 $0xFFFFC000  }
0x8d: {  	[hbm4b:s24+s2] =	stream.linear.scatter [tilespmem:s8], [sflag:$0x3], $0x4000, $0x38;
	[tilespmem:$0x8400] =	vst v63  }
0x8e: {  	_ =	swait.ge [sflag:s3], $0x4000  }
0x8f: {  	[sflag:s3] =	ssyncset.done $0x0  }
.LBB2_2:
0x90: {  	[sflag:s3] =	ssyncadd.s32 $0xFFFFC000  }
0x91: {  	_ =	sfence.sel $0x180000  }
0x92: {  	[bflag:$0x0] =	sbarrier.arrive $0xFFFF  }
0x93: {  	p0 =	sne.s32 s0, $0x0;
	_ =	strace $0x90000047  }
0x94: {  	s0 =	sadd.s32 @!p0 $0x100000, s1;
	[bflag:$0x2] =	sbarrier.arrive $0xFFFF  }
0x95: {  	[sflag:s0] =	ssyncadd.tile.s32 @!p0 $0x1;
	_ =	shalt  }
.Lfunc_end2:
_tile_overlayer_lowered:
.L_overlay_start_2:
0x96: {  	(tag) =	ssettag $0x2  }
0x97: {  	s0 =	rddreg [dreg:$0x0];
	s2 =	stileid.u32  }
0x98: {  	s1 =	rddreg [dreg:$0x1];
	p0 =	sne.s32 s2, $0x0  }
0x99: {  	s3 =	rddreg [dreg:$0x2];
	[bflag:$0x3] =	sbarrier.arrive $0xFFFF;
	s2 =	simm.s32 @!p0 $0x1C03  }
0x9a: {  	[timem:s3], [sflag:s2] =	dma.local @!p0 [hbm:s0], s1  }
0x9b: {  	s0 =	simm.s32 @!p0 $0x3  }
0x9c: {  	_ =	swait.ge @!p0 [sflag:s0], s1  }
0x9d: {  	s1 =	ssub.s32 @!p0 $0x0, s1;
	[sflag:s0] =	ssyncset.done @!p0 $0x0  }
0x9e: {  	[sflag:s0] =	ssyncadd.s32 @!p0 s1  }
0x9f: {  	[bflag:$0x3] =	sbarrier.arrive $0xFFFF  }
0xa0: {  	_ =	shalt  }

</sc_bundles>
